<compile_context>
chip_gen: v7x
topology: tpu7x:2x2x1
jax: 0.10.2.dev20260603
libtpu: 0.0.44.dev20260713+nightly
codegen_flags: <defaults>
</compile_context>

<pallas_src>
import math

import jax
import jax.numpy as jnp
from jax import lax
from jax.experimental import pallas as pl
from jax.experimental.pallas import tpu as pltpu
from jax.experimental.pallas import tpu_sc as plsc

HEADDIM_QK = 576
HEADDIM_V = 512
NHEADS = 16
PBS = 16
NUM_PAGES = 2048
TOTAL_TOKENS = NUM_PAGES * PBS
TOPK = 2048
BATCH = 64
SCALE = 1.0 / math.sqrt(HEADDIM_QK)

_LOG2E = 1.4426950408889634
_A = SCALE * _LOG2E



_N_WORKERS = 32
_B_PER_W = BATCH // _N_WORKERS


def _hist_body(idx_hbm, counts_hbm, idx_v, cnt_v):
    wid = lax.axis_index("s") * 2 + lax.axis_index("c")

    ones = jnp.ones((16,), jnp.float32)
    zeros_f = jnp.zeros((16,), jnp.float32)
    zero_i = jnp.zeros((16,), jnp.int32)
    max_i = jnp.full((16,), TOTAL_TOKENS - 1, jnp.int32)
    rmask = jnp.full((16,), PBS - 1, jnp.int32)

    for r in range(PBS):
        def zstep(j, carry, r=r):
            cnt_v[r, pl.ds(j * 16, 16)] = zeros_f
            return carry

        lax.fori_loop(0, NUM_PAGES // 16, zstep, 0, unroll=8)

    for bloc in range(_B_PER_W):
        b = wid * _B_PER_W + bloc
        pltpu.sync_copy(idx_hbm.at[b], idx_v)

        def step(j, carry):
            iv = idx_v[pl.ds(j * 16, 16)]
            iv = lax.min(lax.max(iv, zero_i), max_i)
            ivr = jnp.bitwise_and(iv, rmask)
            ivp = lax.shift_right_logical(iv, 4)
            plsc.addupdate_scatter(cnt_v, [ivr, ivp], ones)
            return carry

        lax.fori_loop(0, TOPK // 16, step, 0, unroll=4)
        pltpu.sync_copy(cnt_v, counts_hbm.at[:, b, :])

        if bloc != _B_PER_W - 1:
            def unstep(j, carry):
                iv = idx_v[pl.ds(j * 16, 16)]
                iv = lax.min(lax.max(iv, zero_i), max_i)
                ivr = jnp.bitwise_and(iv, rmask)
                ivp = lax.shift_right_logical(iv, 4)
                plsc.store_scatter(cnt_v, [ivr, ivp], zeros_f)
                return carry

            lax.fori_loop(0, TOPK // 16, unstep, 0, unroll=4)


def _histogram(idx):
    mesh = plsc.VectorSubcoreMesh(core_axis_name="c", subcore_axis_name="s")
    return pl.kernel(
        _hist_body,
        mesh=mesh,
        out_type=jax.ShapeDtypeStruct((PBS, BATCH, NUM_PAGES), jnp.float32),
        scratch_types=[
            pltpu.VMEM((TOPK,), jnp.int32),
            pltpu.VMEM((PBS, NUM_PAGES), jnp.float32),
        ],
        compiler_params=pltpu.CompilerParams(needs_layout_passes=False),
    )(idx)




_SLABS_PER_STEP = 1
_CHUNKS = 1


def _flash_body(q_ref, k_ref, c_ref, o_ref, acc, l_s):
    i = pl.program_id(0)
    nsteps = pl.num_programs(0)

    @pl.when(i == 0)
    def _init():
        l_s[...] = jnp.zeros_like(l_s[...])
        acc[...] = jnp.zeros_like(acc[...])

    q = q_ref[...]
    l_acc = None
    pv_acc = None
    ch = NUM_PAGES // _CHUNKS
    for u in range(_SLABS_PER_STEP):
        k = k_ref[pl.ds(u * HEADDIM_QK, HEADDIM_QK), :]
        for n in range(_CHUNKS):
            ksub = k[:, n * ch:(n + 1) * ch]
            s = lax.dot_general(
                q, ksub,
                (((1,), (0,)), ((), ())),
                preferred_element_type=jnp.float32,
            )
            cb = c_ref[u][:, n * ch:(n + 1) * ch]
            c = jnp.broadcast_to(cb[:, None, :], (BATCH, NHEADS, ch))
            p = jnp.exp2(s) * c.reshape(BATCH * NHEADS, ch)
            l_u = jnp.sum(p, axis=1, keepdims=True)
            pv_u = lax.dot_general(
                p.astype(jnp.bfloat16), ksub[:HEADDIM_V, :],
                (((1,), (1,)), ((), ())),
                preferred_element_type=jnp.float32,
            )
            l_acc = l_u if l_acc is None else l_acc + l_u
            pv_acc = pv_u if pv_acc is None else pv_acc + pv_u

    l_s[...] += l_acc
    acc[...] += pv_acc

    @pl.when(i == nsteps - 1)
    def _fin():
        o_ref[...] = (acc[...] / l_s[...]).astype(jnp.bfloat16)


def _flash(qr, kvT, counts, interpret=False):
    nrows = BATCH * NHEADS
    grid = (PBS // _SLABS_PER_STEP,)
    return pl.pallas_call(
        _flash_body,
        grid=grid,
        in_specs=[
            pl.BlockSpec((nrows, HEADDIM_QK), lambda i: (0, 0)),
            pl.BlockSpec((_SLABS_PER_STEP * HEADDIM_QK, NUM_PAGES),
                         lambda i: (i, 0)),
            pl.BlockSpec((_SLABS_PER_STEP, BATCH, NUM_PAGES),
                         lambda i: (i, 0, 0)),
        ],
        out_specs=pl.BlockSpec((nrows, HEADDIM_V), lambda i: (0, 0)),
        out_shape=jax.ShapeDtypeStruct((nrows, HEADDIM_V), jnp.bfloat16),
        scratch_shapes=[
            pltpu.VMEM((nrows, HEADDIM_V), jnp.float32),
            pltpu.VMEM((nrows, 1), jnp.float32),
        ],
        compiler_params=pltpu.CompilerParams(
            dimension_semantics=("arbitrary",),
        ),
        interpret=interpret,
    )(qr, kvT, counts)


def kernel(q, kv_cache, indices):
    batch, seqlen_q, nheads, hdqk = q.shape
    num_pages, pbs = kv_cache.shape[0], kv_cache.shape[1]
    kvT = kv_cache.transpose(1, 2, 3, 0).reshape(pbs * hdqk, num_pages)
    idx = indices.reshape(batch, -1)
    counts = _histogram(idx)
    qr = (q.reshape(batch * nheads, hdqk).astype(jnp.float32)
          * _A).astype(jnp.bfloat16)
    out = _flash(qr, kvT, counts)
    return out.reshape(batch, seqlen_q, nheads, HEADDIM_V).astype(q.dtype)

# --- scband reference (transcript-rebuilt; emitter-appended) ---
"""Pipeline reference for scband-model-25056839204984 (READ-ONLY COPY).

The authoritative reference and input builder live on the scoring server;
editing this copy changes nothing except your own understanding.
"""

import jax, jax.numpy as jnp
import numpy as np
import math

HEADDIM_QK = 576
HEADDIM_V = 512
NHEADS = 16
PAGE_BLOCK_SIZE = 16
NUM_BLOCKS = 2048
TOPK = 2048
BATCH = 64
SEQLEN_Q = 1
SCALE = 1.0 / math.sqrt(HEADDIM_QK)


def setup_inputs(seed: int = 0) -> dict:
    key = jax.random.key(seed)
    k1, k2, k3 = jax.random.split(key, 3)
    q = jax.random.normal(k1, (BATCH, SEQLEN_Q, NHEADS, HEADDIM_QK), dtype=jnp.float32).astype(jnp.bfloat16)
    kv_cache = jax.random.normal(k2, (NUM_BLOCKS, PAGE_BLOCK_SIZE, 1, HEADDIM_QK), dtype=jnp.float32).astype(jnp.bfloat16)
    indices = jax.random.randint(k3, (BATCH, SEQLEN_Q, TOPK), 0, NUM_BLOCKS * PAGE_BLOCK_SIZE, dtype=jnp.int32)
    return {"q": q, "kv_cache": kv_cache, "indices": indices}


def reference(q, kv_cache, indices):
    batch, seqlen_q, nheads, hdqk = q.shape
    num_blocks, pbs = kv_cache.shape[0], kv_cache.shape[1]
    total = num_blocks * pbs
    # flatten paged KV cache: (num_blocks, pbs, 1, hdqk) -> (total, hdqk)
    flat_kv = kv_cache.reshape(total, hdqk)
    idx = jnp.clip(indices, 0, total - 1).astype(jnp.int32)
    # gather selected KV tokens: (B, S, topk, hdqk)
    selected = jnp.take(flat_kv, idx.reshape(-1), axis=0).reshape(batch, seqlen_q, -1, hdqk)
    kf = selected.astype(jnp.float32)
    vf = selected[..., :HEADDIM_V].astype(jnp.float32)
    qf = q.astype(jnp.float32)
    # scores: (B, S, H, topk)
    scores = jnp.einsum('bshd,bstd->bsht', qf, kf) * SCALE
    attn = jax.nn.softmax(scores, axis=-1)
    # out: (B, S, H, headdim_v)
    out = jnp.einsum('bsht,bstd->bshd', attn, vf)
    return out.astype(q.dtype)

if __name__ == "__main__":
    import jax
    _d = setup_inputs()
    print(jax.jit(kernel)(*tuple(_d.values())))

</pallas_src>

<mosaic_0001>
#map = affine_map<(d0, d1) -> (0, 0)>
#map1 = affine_map<(d0, d1) -> (0, 0, 0)>
module attributes {stable_mosaic.version = 14 : i64} {
  func.func @_hist_body(%arg0: i32, %arg1: i32, %arg2: memref<64x2048xi32, #tpu.memory_space<hbm>>, %arg3: memref<16x64x2048xf32, #tpu.memory_space<hbm>>, %arg4: memref<2048xi32, #tpu.memory_space<vmem>>, %arg5: memref<16x2048xf32, #tpu.memory_space<vmem>>) attributes {dimension_semantics = [#tpu.dimension_semantics<core_parallel>, #tpu.dimension_semantics<subcore_parallel>], iteration_bounds = array<i64: 2, 16>, scalar_prefetch = 0 : i64, scratch_operands = 2 : i64, tpu.core_type = #tpu.core_type<sc_vector_subcore>, window_params = [{transform_indices = #map}, {transform_indices = #map1}]} {
    %mul3A = arith.constant 2 : i32
    %mul3A_0 = arith.muli %arg1, %mul3A : i32
    %add3A = arith.addi %mul3A_0, %arg0 : i32
    %broadcast_in_dim3A = arith.constant 1.000000e+00 : f32
    %broadcast_in_dim3A_1 = vector.broadcast %broadcast_in_dim3A : f32 to vector<16xf32>
    %broadcast_in_dim3A_2 = arith.constant 0.000000e+00 : f32
    %broadcast_in_dim3A_3 = vector.broadcast %broadcast_in_dim3A_2 : f32 to vector<16xf32>
    %broadcast_in_dim3A_4 = arith.constant 0 : i32
    %broadcast_in_dim3A_5 = vector.broadcast %broadcast_in_dim3A_4 : i32 to vector<16xi32>
    %broadcast_in_dim3A_6 = arith.constant 32767 : i32
    %broadcast_in_dim3A_7 = vector.broadcast %broadcast_in_dim3A_6 : i32 to vector<16xi32>
    %broadcast_in_dim3A_8 = arith.constant 15 : i32
    %broadcast_in_dim3A_9 = vector.broadcast %broadcast_in_dim3A_8 : i32 to vector<16xi32>
    %scan3A = arith.constant 0 : i32
    %scan3A_10 = arith.constant 0 : i32
    %scan3A_11 = arith.constant 128 : i32
    %scan3A_12 = arith.addi %scan3A_10, %scan3A_11 : i32
    %scan3A_13 = arith.constant 8 : i32
    scf.for %scan3A_131 = %scan3A_10 to %scan3A_12 step %scan3A_13  : i32 {
      %mul3A_132 = arith.constant 16 : i32
      %mul3A_133 = arith.muli %scan3A_131, %mul3A_132 : i32
      %swap3A = arith.constant 0 : i32
      %swap3A_134 = arith.index_cast %swap3A : i32 to index
      %swap3A_135 = arith.index_cast %mul3A_133 : i32 to index
      %swap3A_136 = tpu.vector_load %arg5[%swap3A_134, %swap3A_135] {strides = array<i32>} : memref<16x2048xf32, #tpu.memory_space<vmem>>, vector<16xf32>,
      tpu.vector_store %arg5[%swap3A_134, %swap3A_135], %broadcast_in_dim3A_3 {strides = array<i32>} : memref<16x2048xf32, #tpu.memory_space<vmem>>, vector<16xf32>,
      %scan3A_137 = arith.constant 1 : i32
      %scan3A_138 = arith.addi %scan3A_131, %scan3A_137 : i32
      %mul3A_139 = arith.constant 16 : i32
      %mul3A_140 = arith.muli %scan3A_138, %mul3A_139 : i32
      %swap3A_141 = arith.constant 0 : i32
      %swap3A_142 = arith.index_cast %swap3A_141 : i32 to index
      %swap3A_143 = arith.index_cast %mul3A_140 : i32 to index
      %swap3A_144 = tpu.vector_load %arg5[%swap3A_142, %swap3A_143] {strides = array<i32>} : memref<16x2048xf32, #tpu.memory_space<vmem>>, vector<16xf32>,
      tpu.vector_store %arg5[%swap3A_142, %swap3A_143], %broadcast_in_dim3A_3 {strides = array<i32>} : memref<16x2048xf32, #tpu.memory_space<vmem>>, vector<16xf32>,
      %scan3A_145 = arith.constant 2 : i32
      %scan3A_146 = arith.addi %scan3A_131, %scan3A_145 : i32
      %mul3A_147 = arith.constant 16 : i32
      %mul3A_148 = arith.muli %scan3A_146, %mul3A_147 : i32
      %swap3A_149 = arith.constant 0 : i32
      %swap3A_150 = arith.index_cast %swap3A_149 : i32 to index
      %swap3A_151 = arith.index_cast %mul3A_148 : i32 to index
      %swap3A_152 = tpu.vector_load %arg5[%swap3A_150, %swap3A_151] {strides = array<i32>} : memref<16x2048xf32, #tpu.memory_space<vmem>>, vector<16xf32>,
      tpu.vector_store %arg5[%swap3A_150, %swap3A_151], %broadcast_in_dim3A_3 {strides = array<i32>} : memref<16x2048xf32, #tpu.memory_space<vmem>>, vector<16xf32>,
      %scan3A_153 = arith.constant 3 : i32
      %scan3A_154 = arith.addi %scan3A_131, %scan3A_153 : i32
      %mul3A_155 = arith.constant 16 : i32
      %mul3A_156 = arith.muli %scan3A_154, %mul3A_155 : i32
      %swap3A_157 = arith.constant 0 : i32
      %swap3A_158 = arith.index_cast %swap3A_157 : i32 to index
      %swap3A_159 = arith.index_cast %mul3A_156 : i32 to index
      %swap3A_160 = tpu.vector_load %arg5[%swap3A_158, %swap3A_159] {strides = array<i32>} : memref<16x2048xf32, #tpu.memory_space<vmem>>, vector<16xf32>,
      tpu.vector_store %arg5[%swap3A_158, %swap3A_159], %broadcast_in_dim3A_3 {strides = array<i32>} : memref<16x2048xf32, #tpu.memory_space<vmem>>, vector<16xf32>,
      %scan3A_161 = arith.constant 4 : i32
      %scan3A_162 = arith.addi %scan3A_131, %scan3A_161 : i32
      %mul3A_163 = arith.constant 16 : i32
      %mul3A_164 = arith.muli %scan3A_162, %mul3A_163 : i32
      %swap3A_165 = arith.constant 0 : i32
      %swap3A_166 = arith.index_cast %swap3A_165 : i32 to index
      %swap3A_167 = arith.index_cast %mul3A_164 : i32 to index
      %swap3A_168 = tpu.vector_load %arg5[%swap3A_166, %swap3A_167] {strides = array<i32>} : memref<16x2048xf32, #tpu.memory_space<vmem>>, vector<16xf32>,
      tpu.vector_store %arg5[%swap3A_166, %swap3A_167], %broadcast_in_dim3A_3 {strides = array<i32>} : memref<16x2048xf32, #tpu.memory_space<vmem>>, vector<16xf32>,
      %scan3A_169 = arith.constant 5 : i32
      %scan3A_170 = arith.addi %scan3A_131, %scan3A_169 : i32
      %mul3A_171 = arith.constant 16 : i32
      %mul3A_172 = arith.muli %scan3A_170, %mul3A_171 : i32
      %swap3A_173 = arith.constant 0 : i32
      %swap3A_174 = arith.index_cast %swap3A_173 : i32 to index
      %swap3A_175 = arith.index_cast %mul3A_172 : i32 to index
      %swap3A_176 = tpu.vector_load %arg5[%swap3A_174, %swap3A_175] {strides = array<i32>} : memref<16x2048xf32, #tpu.memory_space<vmem>>, vector<16xf32>,
      tpu.vector_store %arg5[%swap3A_174, %swap3A_175], %broadcast_in_dim3A_3 {strides = array<i32>} : memref<16x2048xf32, #tpu.memory_space<vmem>>, vector<16xf32>,
      %scan3A_177 = arith.constant 6 : i32
      %scan3A_178 = arith.addi %scan3A_131, %scan3A_177 : i32
      %mul3A_179 = arith.constant 16 : i32
      %mul3A_180 = arith.muli %scan3A_178, %mul3A_179 : i32
      %swap3A_181 = arith.constant 0 : i32
      %swap3A_182 = arith.index_cast %swap3A_181 : i32 to index
      %swap3A_183 = arith.index_cast %mul3A_180 : i32 to index
      %swap3A_184 = tpu.vector_load %arg5[%swap3A_182, %swap3A_183] {strides = array<i32>} : memref<16x2048xf32, #tpu.memory_space<vmem>>, vector<16xf32>,
      tpu.vector_store %arg5[%swap3A_182, %swap3A_183], %broadcast_in_dim3A_3 {strides = array<i32>} : memref<16x2048xf32, #tpu.memory_space<vmem>>, vector<16xf32>,
      %scan3A_185 = arith.constant 7 : i32
      %scan3A_186 = arith.addi %scan3A_131, %scan3A_185 : i32
      %mul3A_187 = arith.constant 16 : i32
      %mul3A_188 = arith.muli %scan3A_186, %mul3A_187 : i32
      %swap3A_189 = arith.constant 0 : i32
      %swap3A_190 = arith.index_cast %swap3A_189 : i32 to index
      %swap3A_191 = arith.index_cast %mul3A_188 : i32 to index
      %swap3A_192 = tpu.vector_load %arg5[%swap3A_190, %swap3A_191] {strides = array<i32>} : memref<16x2048xf32, #tpu.memory_space<vmem>>, vector<16xf32>,
      tpu.vector_store %arg5[%swap3A_190, %swap3A_191], %broadcast_in_dim3A_3 {strides = array<i32>} : memref<16x2048xf32, #tpu.memory_space<vmem>>, vector<16xf32>,
    }
    %scan3A_14 = arith.constant 128 : i32
    %scan3A_15 = arith.constant 0 : i32
    %scan3A_16 = arith.constant 0 : i32
    %scan3A_17 = arith.constant 128 : i32
    %scan3A_18 = arith.addi %scan3A_16, %scan3A_17 : i32
    %scan3A_19 = arith.constant 8 : i32
    scf.for %scan3A_131 = %scan3A_16 to %scan3A_18 step %scan3A_19  : i32 {
      %mul3A_132 = arith.constant 16 : i32
      %mul3A_133 = arith.muli %scan3A_131, %mul3A_132 : i32
      %swap3A = arith.constant 1 : i32
      %swap3A_134 = arith.index_cast %swap3A : i32 to index
      %swap3A_135 = arith.index_cast %mul3A_133 : i32 to index
      %swap3A_136 = tpu.vector_load %arg5[%swap3A_134, %swap3A_135] {strides = array<i32>} : memref<16x2048xf32, #tpu.memory_space<vmem>>, vector<16xf32>,
      tpu.vector_store %arg5[%swap3A_134, %swap3A_135], %broadcast_in_dim3A_3 {strides = array<i32>} : memref<16x2048xf32, #tpu.memory_space<vmem>>, vector<16xf32>,
      %scan3A_137 = arith.constant 1 : i32
      %scan3A_138 = arith.addi %scan3A_131, %scan3A_137 : i32
      %mul3A_139 = arith.constant 16 : i32
      %mul3A_140 = arith.muli %scan3A_138, %mul3A_139 : i32
      %swap3A_141 = arith.constant 1 : i32
      %swap3A_142 = arith.index_cast %swap3A_141 : i32 to index
      %swap3A_143 = arith.index_cast %mul3A_140 : i32 to index
      %swap3A_144 = tpu.vector_load %arg5[%swap3A_142, %swap3A_143] {strides = array<i32>} : memref<16x2048xf32, #tpu.memory_space<vmem>>, vector<16xf32>,
      tpu.vector_store %arg5[%swap3A_142, %swap3A_143], %broadcast_in_dim3A_3 {strides = array<i32>} : memref<16x2048xf32, #tpu.memory_space<vmem>>, vector<16xf32>,
      %scan3A_145 = arith.constant 2 : i32
      %scan3A_146 = arith.addi %scan3A_131, %scan3A_145 : i32
      %mul3A_147 = arith.constant 16 : i32
      %mul3A_148 = arith.muli %scan3A_146, %mul3A_147 : i32
      %swap3A_149 = arith.constant 1 : i32
      %swap3A_150 = arith.index_cast %swap3A_149 : i32 to index
      %swap3A_151 = arith.index_cast %mul3A_148 : i32 to index
      %swap3A_152 = tpu.vector_load %arg5[%swap3A_150, %swap3A_151] {strides = array<i32>} : memref<16x2048xf32, #tpu.memory_space<vmem>>, vector<16xf32>,
      tpu.vector_store %arg5[%swap3A_150, %swap3A_151], %broadcast_in_dim3A_3 {strides = array<i32>} : memref<16x2048xf32, #tpu.memory_space<vmem>>, vector<16xf32>,
      %scan3A_153 = arith.constant 3 : i32
      %scan3A_154 = arith.addi %scan3A_131, %scan3A_153 : i32
      %mul3A_155 = arith.constant 16 : i32
      %mul3A_156 = arith.muli %scan3A_154, %mul3A_155 : i32
      %swap3A_157 = arith.constant 1 : i32
      %swap3A_158 = arith.index_cast %swap3A_157 : i32 to index
      %swap3A_159 = arith.index_cast %mul3A_156 : i32 to index
      %swap3A_160 = tpu.vector_load %arg5[%swap3A_158, %swap3A_159] {strides = array<i32>} : memref<16x2048xf32, #tpu.memory_space<vmem>>, vector<16xf32>,
      tpu.vector_store %arg5[%swap3A_158, %swap3A_159], %broadcast_in_dim3A_3 {strides = array<i32>} : memref<16x2048xf32, #tpu.memory_space<vmem>>, vector<16xf32>,
      %scan3A_161 = arith.constant 4 : i32
      %scan3A_162 = arith.addi %scan3A_131, %scan3A_161 : i32
      %mul3A_163 = arith.constant 16 : i32
      %mul3A_164 = arith.muli %scan3A_162, %mul3A_163 : i32
      %swap3A_165 = arith.constant 1 : i32
      %swap3A_166 = arith.index_cast %swap3A_165 : i32 to index
      %swap3A_167 = arith.index_cast %mul3A_164 : i32 to index
      %swap3A_168 = tpu.vector_load %arg5[%swap3A_166, %swap3A_167] {strides = array<i32>} : memref<16x2048xf32, #tpu.memory_space<vmem>>, vector<16xf32>,
      tpu.vector_store %arg5[%swap3A_166, %swap3A_167], %broadcast_in_dim3A_3 {strides = array<i32>} : memref<16x2048xf32, #tpu.memory_space<vmem>>, vector<16xf32>,
      %scan3A_169 = arith.constant 5 : i32
      %scan3A_170 = arith.addi %scan3A_131, %scan3A_169 : i32
      %mul3A_171 = arith.constant 16 : i32
      %mul3A_172 = arith.muli %scan3A_170, %mul3A_171 : i32
      %swap3A_173 = arith.constant 1 : i32
      %swap3A_174 = arith.index_cast %swap3A_173 : i32 to index
      %swap3A_175 = arith.index_cast %mul3A_172 : i32 to index
      %swap3A_176 = tpu.vector_load %arg5[%swap3A_174, %swap3A_175] {strides = array<i32>} : memref<16x2048xf32, #tpu.memory_space<vmem>>, vector<16xf32>,
      tpu.vector_store %arg5[%swap3A_174, %swap3A_175], %broadcast_in_dim3A_3 {strides = array<i32>} : memref<16x2048xf32, #tpu.memory_space<vmem>>, vector<16xf32>,
      %scan3A_177 = arith.constant 6 : i32
      %scan3A_178 = arith.addi %scan3A_131, %scan3A_177 : i32
      %mul3A_179 = arith.constant 16 : i32
      %mul3A_180 = arith.muli %scan3A_178, %mul3A_179 : i32
      %swap3A_181 = arith.constant 1 : i32
      %swap3A_182 = arith.index_cast %swap3A_181 : i32 to index
      %swap3A_183 = arith.index_cast %mul3A_180 : i32 to index
      %swap3A_184 = tpu.vector_load %arg5[%swap3A_182, %swap3A_183] {strides = array<i32>} : memref<16x2048xf32, #tpu.memory_space<vmem>>, vector<16xf32>,
      tpu.vector_store %arg5[%swap3A_182, %swap3A_183], %broadcast_in_dim3A_3 {strides = array<i32>} : memref<16x2048xf32, #tpu.memory_space<vmem>>, vector<16xf32>,
      %scan3A_185 = arith.constant 7 : i32
      %scan3A_186 = arith.addi %scan3A_131, %scan3A_185 : i32
      %mul3A_187 = arith.constant 16 : i32
      %mul3A_188 = arith.muli %scan3A_186, %mul3A_187 : i32
      %swap3A_189 = arith.constant 1 : i32
      %swap3A_190 = arith.index_cast %swap3A_189 : i32 to index
      %swap3A_191 = arith.index_cast %mul3A_188 : i32 to index
      %swap3A_192 = tpu.vector_load %arg5[%swap3A_190, %swap3A_191] {strides = array<i32>} : memref<16x2048xf32, #tpu.memory_space<vmem>>, vector<16xf32>,
      tpu.vector_store %arg5[%swap3A_190, %swap3A_191], %broadcast_in_dim3A_3 {strides = array<i32>} : memref<16x2048xf32, #tpu.memory_space<vmem>>, vector<16xf32>,
    }
    %scan3A_20 = arith.constant 128 : i32
    %scan3A_21 = arith.constant 0 : i32
    %scan3A_22 = arith.constant 0 : i32
    %scan3A_23 = arith.constant 128 : i32
    %scan3A_24 = arith.addi %scan3A_22, %scan3A_23 : i32
    %scan3A_25 = arith.constant 8 : i32
    scf.for %scan3A_131 = %scan3A_22 to %scan3A_24 step %scan3A_25  : i32 {
      %mul3A_132 = arith.constant 16 : i32
      %mul3A_133 = arith.muli %scan3A_131, %mul3A_132 : i32
      %swap3A = arith.constant 2 : i32
      %swap3A_134 = arith.index_cast %swap3A : i32 to index
      %swap3A_135 = arith.index_cast %mul3A_133 : i32 to index
      %swap3A_136 = tpu.vector_load %arg5[%swap3A_134, %swap3A_135] {strides = array<i32>} : memref<16x2048xf32, #tpu.memory_space<vmem>>, vector<16xf32>,
      tpu.vector_store %arg5[%swap3A_134, %swap3A_135], %broadcast_in_dim3A_3 {strides = array<i32>} : memref<16x2048xf32, #tpu.memory_space<vmem>>, vector<16xf32>,
      %scan3A_137 = arith.constant 1 : i32
      %scan3A_138 = arith.addi %scan3A_131, %scan3A_137 : i32
      %mul3A_139 = arith.constant 16 : i32
      %mul3A_140 = arith.muli %scan3A_138, %mul3A_139 : i32
      %swap3A_141 = arith.constant 2 : i32
      %swap3A_142 = arith.index_cast %swap3A_141 : i32 to index
      %swap3A_143 = arith.index_cast %mul3A_140 : i32 to index
      %swap3A_144 = tpu.vector_load %arg5[%swap3A_142, %swap3A_143] {strides = array<i32>} : memref<16x2048xf32, #tpu.memory_space<vmem>>, vector<16xf32>,
      tpu.vector_store %arg5[%swap3A_142, %swap3A_143], %broadcast_in_dim3A_3 {strides = array<i32>} : memref<16x2048xf32, #tpu.memory_space<vmem>>, vector<16xf32>,
      %scan3A_145 = arith.constant 2 : i32
      %scan3A_146 = arith.addi %scan3A_131, %scan3A_145 : i32
      %mul3A_147 = arith.constant 16 : i32
      %mul3A_148 = arith.muli %scan3A_146, %mul3A_147 : i32
      %swap3A_149 = arith.constant 2 : i32
      %swap3A_150 = arith.index_cast %swap3A_149 : i32 to index
      %swap3A_151 = arith.index_cast %mul3A_148 : i32 to index
      %swap3A_152 = tpu.vector_load %arg5[%swap3A_150, %swap3A_151] {strides = array<i32>} : memref<16x2048xf32, #tpu.memory_space<vmem>>, vector<16xf32>,
      tpu.vector_store %arg5[%swap3A_150, %swap3A_151], %broadcast_in_dim3A_3 {strides = array<i32>} : memref<16x2048xf32, #tpu.memory_space<vmem>>, vector<16xf32>,
      %scan3A_153 = arith.constant 3 : i32
      %scan3A_154 = arith.addi %scan3A_131, %scan3A_153 : i32
      %mul3A_155 = arith.constant 16 : i32
      %mul3A_156 = arith.muli %scan3A_154, %mul3A_155 : i32
      %swap3A_157 = arith.constant 2 : i32
      %swap3A_158 = arith.index_cast %swap3A_157 : i32 to index
      %swap3A_159 = arith.index_cast %mul3A_156 : i32 to index
      %swap3A_160 = tpu.vector_load %arg5[%swap3A_158, %swap3A_159] {strides = array<i32>} : memref<16x2048xf32, #tpu.memory_space<vmem>>, vector<16xf32>,
      tpu.vector_store %arg5[%swap3A_158, %swap3A_159], %broadcast_in_dim3A_3 {strides = array<i32>} : memref<16x2048xf32, #tpu.memory_space<vmem>>, vector<16xf32>,
      %scan3A_161 = arith.constant 4 : i32
      %scan3A_162 = arith.addi %scan3A_131, %scan3A_161 : i32
      %mul3A_163 = arith.constant 16 : i32
      %mul3A_164 = arith.muli %scan3A_162, %mul3A_163 : i32
      %swap3A_165 = arith.constant 2 : i32
      %swap3A_166 = arith.index_cast %swap3A_165 : i32 to index
      %swap3A_167 = arith.index_cast %mul3A_164 : i32 to index
      %swap3A_168 = tpu.vector_load %arg5[%swap3A_166, %swap3A_167] {strides = array<i32>} : memref<16x2048xf32, #tpu.memory_space<vmem>>, vector<16xf32>,
      tpu.vector_store %arg5[%swap3A_166, %swap3A_167], %broadcast_in_dim3A_3 {strides = array<i32>} : memref<16x2048xf32, #tpu.memory_space<vmem>>, vector<16xf32>,
      %scan3A_169 = arith.constant 5 : i32
      %scan3A_170 = arith.addi %scan3A_131, %scan3A_169 : i32
      %mul3A_171 = arith.constant 16 : i32
      %mul3A_172 = arith.muli %scan3A_170, %mul3A_171 : i32
      %swap3A_173 = arith.constant 2 : i32
      %swap3A_174 = arith.index_cast %swap3A_173 : i32 to index
      %swap3A_175 = arith.index_cast %mul3A_172 : i32 to index
      %swap3A_176 = tpu.vector_load %arg5[%swap3A_174, %swap3A_175] {strides = array<i32>} : memref<16x2048xf32, #tpu.memory_space<vmem>>, vector<16xf32>,
      tpu.vector_store %arg5[%swap3A_174, %swap3A_175], %broadcast_in_dim3A_3 {strides = array<i32>} : memref<16x2048xf32, #tpu.memory_space<vmem>>, vector<16xf32>,
      %scan3A_177 = arith.constant 6 : i32
      %scan3A_178 = arith.addi %scan3A_131, %scan3A_177 : i32
      %mul3A_179 = arith.constant 16 : i32
      %mul3A_180 = arith.muli %scan3A_178, %mul3A_179 : i32
      %swap3A_181 = arith.constant 2 : i32
      %swap3A_182 = arith.index_cast %swap3A_181 : i32 to index
      %swap3A_183 = arith.index_cast %mul3A_180 : i32 to index
      %swap3A_184 = tpu.vector_load %arg5[%swap3A_182, %swap3A_183] {strides = array<i32>} : memref<16x2048xf32, #tpu.memory_space<vmem>>, vector<16xf32>,
      tpu.vector_store %arg5[%swap3A_182, %swap3A_183], %broadcast_in_dim3A_3 {strides = array<i32>} : memref<16x2048xf32, #tpu.memory_space<vmem>>, vector<16xf32>,
      %scan3A_185 = arith.constant 7 : i32
      %scan3A_186 = arith.addi %scan3A_131, %scan3A_185 : i32
      %mul3A_187 = arith.constant 16 : i32
      %mul3A_188 = arith.muli %scan3A_186, %mul3A_187 : i32
      %swap3A_189 = arith.constant 2 : i32
      %swap3A_190 = arith.index_cast %swap3A_189 : i32 to index
      %swap3A_191 = arith.index_cast %mul3A_188 : i32 to index
      %swap3A_192 = tpu.vector_load %arg5[%swap3A_190, %swap3A_191] {strides = array<i32>} : memref<16x2048xf32, #tpu.memory_space<vmem>>, vector<16xf32>,
      tpu.vector_store %arg5[%swap3A_190, %swap3A_191], %broadcast_in_dim3A_3 {strides = array<i32>} : memref<16x2048xf32, #tpu.memory_space<vmem>>, vector<16xf32>,
    }
    %scan3A_26 = arith.constant 128 : i32
    %scan3A_27 = arith.constant 0 : i32
    %scan3A_28 = arith.constant 0 : i32
    %scan3A_29 = arith.constant 128 : i32
    %scan3A_30 = arith.addi %scan3A_28, %scan3A_29 : i32
    %scan3A_31 = arith.constant 8 : i32
    scf.for %scan3A_131 = %scan3A_28 to %scan3A_30 step %scan3A_31  : i32 {
      %mul3A_132 = arith.constant 16 : i32
      %mul3A_133 = arith.muli %scan3A_131, %mul3A_132 : i32
      %swap3A = arith.constant 3 : i32
      %swap3A_134 = arith.index_cast %swap3A : i32 to index
      %swap3A_135 = arith.index_cast %mul3A_133 : i32 to index
      %swap3A_136 = tpu.vector_load %arg5[%swap3A_134, %swap3A_135] {strides = array<i32>} : memref<16x2048xf32, #tpu.memory_space<vmem>>, vector<16xf32>,
      tpu.vector_store %arg5[%swap3A_134, %swap3A_135], %broadcast_in_dim3A_3 {strides = array<i32>} : memref<16x2048xf32, #tpu.memory_space<vmem>>, vector<16xf32>,
      %scan3A_137 = arith.constant 1 : i32
      %scan3A_138 = arith.addi %scan3A_131, %scan3A_137 : i32
      %mul3A_139 = arith.constant 16 : i32
      %mul3A_140 = arith.muli %scan3A_138, %mul3A_139 : i32
      %swap3A_141 = arith.constant 3 : i32
      %swap3A_142 = arith.index_cast %swap3A_141 : i32 to index
      %swap3A_143 = arith.index_cast %mul3A_140 : i32 to index
      %swap3A_144 = tpu.vector_load %arg5[%swap3A_142, %swap3A_143] {strides = array<i32>} : memref<16x2048xf32, #tpu.memory_space<vmem>>, vector<16xf32>,
      tpu.vector_store %arg5[%swap3A_142, %swap3A_143], %broadcast_in_dim3A_3 {strides = array<i32>} : memref<16x2048xf32, #tpu.memory_space<vmem>>, vector<16xf32>,
      %scan3A_145 = arith.constant 2 : i32
      %scan3A_146 = arith.addi %scan3A_131, %scan3A_145 : i32
      %mul3A_147 = arith.constant 16 : i32
      %mul3A_148 = arith.muli %scan3A_146, %mul3A_147 : i32
      %swap3A_149 = arith.constant 3 : i32
      %swap3A_150 = arith.index_cast %swap3A_149 : i32 to index
      %swap3A_151 = arith.index_cast %mul3A_148 : i32 to index
      %swap3A_152 = tpu.vector_load %arg5[%swap3A_150, %swap3A_151] {strides = array<i32>} : memref<16x2048xf32, #tpu.memory_space<vmem>>, vector<16xf32>,
      tpu.vector_store %arg5[%swap3A_150, %swap3A_151], %broadcast_in_dim3A_3 {strides = array<i32>} : memref<16x2048xf32, #tpu.memory_space<vmem>>, vector<16xf32>,
      %scan3A_153 = arith.constant 3 : i32
      %scan3A_154 = arith.addi %scan3A_131, %scan3A_153 : i32
      %mul3A_155 = arith.constant 16 : i32
      %mul3A_156 = arith.muli %scan3A_154, %mul3A_155 : i32
      %swap3A_157 = arith.constant 3 : i32
      %swap3A_158 = arith.index_cast %swap3A_157 : i32 to index
      %swap3A_159 = arith.index_cast %mul3A_156 : i32 to index
      %swap3A_160 = tpu.vector_load %arg5[%swap3A_158, %swap3A_159] {strides = array<i32>} : memref<16x2048xf32, #tpu.memory_space<vmem>>, vector<16xf32>,
      tpu.vector_store %arg5[%swap3A_158, %swap3A_159], %broadcast_in_dim3A_3 {strides = array<i32>} : memref<16x2048xf32, #tpu.memory_space<vmem>>, vector<16xf32>,
      %scan3A_161 = arith.constant 4 : i32
      %scan3A_162 = arith.addi %scan3A_131, %scan3A_161 : i32
      %mul3A_163 = arith.constant 16 : i32
      %mul3A_164 = arith.muli %scan3A_162, %mul3A_163 : i32
      %swap3A_165 = arith.constant 3 : i32
      %swap3A_166 = arith.index_cast %swap3A_165 : i32 to index
      %swap3A_167 = arith.index_cast %mul3A_164 : i32 to index
      %swap3A_168 = tpu.vector_load %arg5[%swap3A_166, %swap3A_167] {strides = array<i32>} : memref<16x2048xf32, #tpu.memory_space<vmem>>, vector<16xf32>,
      tpu.vector_store %arg5[%swap3A_166, %swap3A_167], %broadcast_in_dim3A_3 {strides = array<i32>} : memref<16x2048xf32, #tpu.memory_space<vmem>>, vector<16xf32>,
      %scan3A_169 = arith.constant 5 : i32
      %scan3A_170 = arith.addi %scan3A_131, %scan3A_169 : i32
      %mul3A_171 = arith.constant 16 : i32
      %mul3A_172 = arith.muli %scan3A_170, %mul3A_171 : i32
      %swap3A_173 = arith.constant 3 : i32
      %swap3A_174 = arith.index_cast %swap3A_173 : i32 to index
      %swap3A_175 = arith.index_cast %mul3A_172 : i32 to index
      %swap3A_176 = tpu.vector_load %arg5[%swap3A_174, %swap3A_175] {strides = array<i32>} : memref<16x2048xf32, #tpu.memory_space<vmem>>, vector<16xf32>,
      tpu.vector_store %arg5[%swap3A_174, %swap3A_175], %broadcast_in_dim3A_3 {strides = array<i32>} : memref<16x2048xf32, #tpu.memory_space<vmem>>, vector<16xf32>,
      %scan3A_177 = arith.constant 6 : i32
      %scan3A_178 = arith.addi %scan3A_131, %scan3A_177 : i32
      %mul3A_179 = arith.constant 16 : i32
      %mul3A_180 = arith.muli %scan3A_178, %mul3A_179 : i32
      %swap3A_181 = arith.constant 3 : i32
      %swap3A_182 = arith.index_cast %swap3A_181 : i32 to index
      %swap3A_183 = arith.index_cast %mul3A_180 : i32 to index
      %swap3A_184 = tpu.vector_load %arg5[%swap3A_182, %swap3A_183] {strides = array<i32>} : memref<16x2048xf32, #tpu.memory_space<vmem>>, vector<16xf32>,
      tpu.vector_store %arg5[%swap3A_182, %swap3A_183], %broadcast_in_dim3A_3 {strides = array<i32>} : memref<16x2048xf32, #tpu.memory_space<vmem>>, vector<16xf32>,
      %scan3A_185 = arith.constant 7 : i32
      %scan3A_186 = arith.addi %scan3A_131, %scan3A_185 : i32
      %mul3A_187 = arith.constant 16 : i32
      %mul3A_188 = arith.muli %scan3A_186, %mul3A_187 : i32
      %swap3A_189 = arith.constant 3 : i32
      %swap3A_190 = arith.index_cast %swap3A_189 : i32 to index
      %swap3A_191 = arith.index_cast %mul3A_188 : i32 to index
      %swap3A_192 = tpu.vector_load %arg5[%swap3A_190, %swap3A_191] {strides = array<i32>} : memref<16x2048xf32, #tpu.memory_space<vmem>>, vector<16xf32>,
      tpu.vector_store %arg5[%swap3A_190, %swap3A_191], %broadcast_in_dim3A_3 {strides = array<i32>} : memref<16x2048xf32, #tpu.memory_space<vmem>>, vector<16xf32>,
    }
    %scan3A_32 = arith.constant 128 : i32
    %scan3A_33 = arith.constant 0 : i32
    %scan3A_34 = arith.constant 0 : i32
    %scan3A_35 = arith.constant 128 : i32
    %scan3A_36 = arith.addi %scan3A_34, %scan3A_35 : i32
    %scan3A_37 = arith.constant 8 : i32
    scf.for %scan3A_131 = %scan3A_34 to %scan3A_36 step %scan3A_37  : i32 {
      %mul3A_132 = arith.constant 16 : i32
      %mul3A_133 = arith.muli %scan3A_131, %mul3A_132 : i32
      %swap3A = arith.constant 4 : i32
      %swap3A_134 = arith.index_cast %swap3A : i32 to index
      %swap3A_135 = arith.index_cast %mul3A_133 : i32 to index
      %swap3A_136 = tpu.vector_load %arg5[%swap3A_134, %swap3A_135] {strides = array<i32>} : memref<16x2048xf32, #tpu.memory_space<vmem>>, vector<16xf32>,
      tpu.vector_store %arg5[%swap3A_134, %swap3A_135], %broadcast_in_dim3A_3 {strides = array<i32>} : memref<16x2048xf32, #tpu.memory_space<vmem>>, vector<16xf32>,
      %scan3A_137 = arith.constant 1 : i32
      %scan3A_138 = arith.addi %scan3A_131, %scan3A_137 : i32
      %mul3A_139 = arith.constant 16 : i32
      %mul3A_140 = arith.muli %scan3A_138, %mul3A_139 : i32
      %swap3A_141 = arith.constant 4 : i32
      %swap3A_142 = arith.index_cast %swap3A_141 : i32 to index
      %swap3A_143 = arith.index_cast %mul3A_140 : i32 to index
      %swap3A_144 = tpu.vector_load %arg5[%swap3A_142, %swap3A_143] {strides = array<i32>} : memref<16x2048xf32, #tpu.memory_space<vmem>>, vector<16xf32>,
      tpu.vector_store %arg5[%swap3A_142, %swap3A_143], %broadcast_in_dim3A_3 {strides = array<i32>} : memref<16x2048xf32, #tpu.memory_space<vmem>>, vector<16xf32>,
      %scan3A_145 = arith.constant 2 : i32
      %scan3A_146 = arith.addi %scan3A_131, %scan3A_145 : i32
      %mul3A_147 = arith.constant 16 : i32
      %mul3A_148 = arith.muli %scan3A_146, %mul3A_147 : i32
      %swap3A_149 = arith.constant 4 : i32
      %swap3A_150 = arith.index_cast %swap3A_149 : i32 to index
      %swap3A_151 = arith.index_cast %mul3A_148 : i32 to index
      %swap3A_152 = tpu.vector_load %arg5[%swap3A_150, %swap3A_151] {strides = array<i32>} : memref<16x2048xf32, #tpu.memory_space<vmem>>, vector<16xf32>,
      tpu.vector_store %arg5[%swap3A_150, %swap3A_151], %broadcast_in_dim3A_3 {strides = array<i32>} : memref<16x2048xf32, #tpu.memory_space<vmem>>, vector<16xf32>,
      %scan3A_153 = arith.constant 3 : i32
      %scan3A_154 = arith.addi %scan3A_131, %scan3A_153 : i32
      %mul3A_155 = arith.constant 16 : i32
      %mul3A_156 = arith.muli %scan3A_154, %mul3A_155 : i32
      %swap3A_157 = arith.constant 4 : i32
      %swap3A_158 = arith.index_cast %swap3A_157 : i32 to index
      %swap3A_159 = arith.index_cast %mul3A_156 : i32 to index
      %swap3A_160 = tpu.vector_load %arg5[%swap3A_158, %swap3A_159] {strides = array<i32>} : memref<16x2048xf32, #tpu.memory_space<vmem>>, vector<16xf32>,
      tpu.vector_store %arg5[%swap3A_158, %swap3A_159], %broadcast_in_dim3A_3 {strides = array<i32>} : memref<16x2048xf32, #tpu.memory_space<vmem>>, vector<16xf32>,
      %scan3A_161 = arith.constant 4 : i32
      %scan3A_162 = arith.addi %scan3A_131, %scan3A_161 : i32
      %mul3A_163 = arith.constant 16 : i32
      %mul3A_164 = arith.muli %scan3A_162, %mul3A_163 : i32
      %swap3A_165 = arith.constant 4 : i32
      %swap3A_166 = arith.index_cast %swap3A_165 : i32 to index
      %swap3A_167 = arith.index_cast %mul3A_164 : i32 to index
      %swap3A_168 = tpu.vector_load %arg5[%swap3A_166, %swap3A_167] {strides = array<i32>} : memref<16x2048xf32, #tpu.memory_space<vmem>>, vector<16xf32>,
      tpu.vector_store %arg5[%swap3A_166, %swap3A_167], %broadcast_in_dim3A_3 {strides = array<i32>} : memref<16x2048xf32, #tpu.memory_space<vmem>>, vector<16xf32>,
      %scan3A_169 = arith.constant 5 : i32
      %scan3A_170 = arith.addi %scan3A_131, %scan3A_169 : i32
      %mul3A_171 = arith.constant 16 : i32
      %mul3A_172 = arith.muli %scan3A_170, %mul3A_171 : i32
      %swap3A_173 = arith.constant 4 : i32
      %swap3A_174 = arith.index_cast %swap3A_173 : i32 to index
      %swap3A_175 = arith.index_cast %mul3A_172 : i32 to index
      %swap3A_176 = tpu.vector_load %arg5[%swap3A_174, %swap3A_175] {strides = array<i32>} : memref<16x2048xf32, #tpu.memory_space<vmem>>, vector<16xf32>,
      tpu.vector_store %arg5[%swap3A_174, %swap3A_175], %broadcast_in_dim3A_3 {strides = array<i32>} : memref<16x2048xf32, #tpu.memory_space<vmem>>, vector<16xf32>,
      %scan3A_177 = arith.constant 6 : i32
      %scan3A_178 = arith.addi %scan3A_131, %scan3A_177 : i32
      %mul3A_179 = arith.constant 16 : i32
      %mul3A_180 = arith.muli %scan3A_178, %mul3A_179 : i32
      %swap3A_181 = arith.constant 4 : i32
      %swap3A_182 = arith.index_cast %swap3A_181 : i32 to index
      %swap3A_183 = arith.index_cast %mul3A_180 : i32 to index
      %swap3A_184 = tpu.vector_load %arg5[%swap3A_182, %swap3A_183] {strides = array<i32>} : memref<16x2048xf32, #tpu.memory_space<vmem>>, vector<16xf32>,
      tpu.vector_store %arg5[%swap3A_182, %swap3A_183], %broadcast_in_dim3A_3 {strides = array<i32>} : memref<16x2048xf32, #tpu.memory_space<vmem>>, vector<16xf32>,
      %scan3A_185 = arith.constant 7 : i32
      %scan3A_186 = arith.addi %scan3A_131, %scan3A_185 : i32
      %mul3A_187 = arith.constant 16 : i32
      %mul3A_188 = arith.muli %scan3A_186, %mul3A_187 : i32
      %swap3A_189 = arith.constant 4 : i32
      %swap3A_190 = arith.index_cast %swap3A_189 : i32 to index
      %swap3A_191 = arith.index_cast %mul3A_188 : i32 to index
      %swap3A_192 = tpu.vector_load %arg5[%swap3A_190, %swap3A_191] {strides = array<i32>} : memref<16x2048xf32, #tpu.memory_space<vmem>>, vector<16xf32>,
      tpu.vector_store %arg5[%swap3A_190, %swap3A_191], %broadcast_in_dim3A_3 {strides = array<i32>} : memref<16x2048xf32, #tpu.memory_space<vmem>>, vector<16xf32>,
    }
    %scan3A_38 = arith.constant 128 : i32
    %scan3A_39 = arith.constant 0 : i32
    %scan3A_40 = arith.constant 0 : i32
    %scan3A_41 = arith.constant 128 : i32
    %scan3A_42 = arith.addi %scan3A_40, %scan3A_41 : i32
    %scan3A_43 = arith.constant 8 : i32
    scf.for %scan3A_131 = %scan3A_40 to %scan3A_42 step %scan3A_43  : i32 {
      %mul3A_132 = arith.constant 16 : i32
      %mul3A_133 = arith.muli %scan3A_131, %mul3A_132 : i32
      %swap3A = arith.constant 5 : i32
      %swap3A_134 = arith.index_cast %swap3A : i32 to index
      %swap3A_135 = arith.index_cast %mul3A_133 : i32 to index
      %swap3A_136 = tpu.vector_load %arg5[%swap3A_134, %swap3A_135] {strides = array<i32>} : memref<16x2048xf32, #tpu.memory_space<vmem>>, vector<16xf32>,
      tpu.vector_store %arg5[%swap3A_134, %swap3A_135], %broadcast_in_dim3A_3 {strides = array<i32>} : memref<16x2048xf32, #tpu.memory_space<vmem>>, vector<16xf32>,
      %scan3A_137 = arith.constant 1 : i32
      %scan3A_138 = arith.addi %scan3A_131, %scan3A_137 : i32
      %mul3A_139 = arith.constant 16 : i32
      %mul3A_140 = arith.muli %scan3A_138, %mul3A_139 : i32
      %swap3A_141 = arith.constant 5 : i32
      %swap3A_142 = arith.index_cast %swap3A_141 : i32 to index
      %swap3A_143 = arith.index_cast %mul3A_140 : i32 to index
      %swap3A_144 = tpu.vector_load %arg5[%swap3A_142, %swap3A_143] {strides = array<i32>} : memref<16x2048xf32, #tpu.memory_space<vmem>>, vector<16xf32>,
      tpu.vector_store %arg5[%swap3A_142, %swap3A_143], %broadcast_in_dim3A_3 {strides = array<i32>} : memref<16x2048xf32, #tpu.memory_space<vmem>>, vector<16xf32>,
      %scan3A_145 = arith.constant 2 : i32
      %scan3A_146 = arith.addi %scan3A_131, %scan3A_145 : i32
      %mul3A_147 = arith.constant 16 : i32
      %mul3A_148 = arith.muli %scan3A_146, %mul3A_147 : i32
      %swap3A_149 = arith.constant 5 : i32
      %swap3A_150 = arith.index_cast %swap3A_149 : i32 to index
      %swap3A_151 = arith.index_cast %mul3A_148 : i32 to index
      %swap3A_152 = tpu.vector_load %arg5[%swap3A_150, %swap3A_151] {strides = array<i32>} : memref<16x2048xf32, #tpu.memory_space<vmem>>, vector<16xf32>,
      tpu.vector_store %arg5[%swap3A_150, %swap3A_151], %broadcast_in_dim3A_3 {strides = array<i32>} : memref<16x2048xf32, #tpu.memory_space<vmem>>, vector<16xf32>,
      %scan3A_153 = arith.constant 3 : i32
      %scan3A_154 = arith.addi %scan3A_131, %scan3A_153 : i32
      %mul3A_155 = arith.constant 16 : i32
      %mul3A_156 = arith.muli %scan3A_154, %mul3A_155 : i32
      %swap3A_157 = arith.constant 5 : i32
      %swap3A_158 = arith.index_cast %swap3A_157 : i32 to index
      %swap3A_159 = arith.index_cast %mul3A_156 : i32 to index
      %swap3A_160 = tpu.vector_load %arg5[%swap3A_158, %swap3A_159] {strides = array<i32>} : memref<16x2048xf32, #tpu.memory_space<vmem>>, vector<16xf32>,
      tpu.vector_store %arg5[%swap3A_158, %swap3A_159], %broadcast_in_dim3A_3 {strides = array<i32>} : memref<16x2048xf32, #tpu.memory_space<vmem>>, vector<16xf32>,
      %scan3A_161 = arith.constant 4 : i32
      %scan3A_162 = arith.addi %scan3A_131, %scan3A_161 : i32
      %mul3A_163 = arith.constant 16 : i32
      %mul3A_164 = arith.muli %scan3A_162, %mul3A_163 : i32
      %swap3A_165 = arith.constant 5 : i32
      %swap3A_166 = arith.index_cast %swap3A_165 : i32 to index
      %swap3A_167 = arith.index_cast %mul3A_164 : i32 to index
      %swap3A_168 = tpu.vector_load %arg5[%swap3A_166, %swap3A_167] {strides = array<i32>} : memref<16x2048xf32, #tpu.memory_space<vmem>>, vector<16xf32>,
      tpu.vector_store %arg5[%swap3A_166, %swap3A_167], %broadcast_in_dim3A_3 {strides = array<i32>} : memref<16x2048xf32, #tpu.memory_space<vmem>>, vector<16xf32>,
      %scan3A_169 = arith.constant 5 : i32
      %scan3A_170 = arith.addi %scan3A_131, %scan3A_169 : i32
      %mul3A_171 = arith.constant 16 : i32
      %mul3A_172 = arith.muli %scan3A_170, %mul3A_171 : i32
      %swap3A_173 = arith.constant 5 : i32
      %swap3A_174 = arith.index_cast %swap3A_173 : i32 to index
      %swap3A_175 = arith.index_cast %mul3A_172 : i32 to index
      %swap3A_176 = tpu.vector_load %arg5[%swap3A_174, %swap3A_175] {strides = array<i32>} : memref<16x2048xf32, #tpu.memory_space<vmem>>, vector<16xf32>,
      tpu.vector_store %arg5[%swap3A_174, %swap3A_175], %broadcast_in_dim3A_3 {strides = array<i32>} : memref<16x2048xf32, #tpu.memory_space<vmem>>, vector<16xf32>,
      %scan3A_177 = arith.constant 6 : i32
      %scan3A_178 = arith.addi %scan3A_131, %scan3A_177 : i32
      %mul3A_179 = arith.constant 16 : i32
      %mul3A_180 = arith.muli %scan3A_178, %mul3A_179 : i32
      %swap3A_181 = arith.constant 5 : i32
      %swap3A_182 = arith.index_cast %swap3A_181 : i32 to index
      %swap3A_183 = arith.index_cast %mul3A_180 : i32 to index
      %swap3A_184 = tpu.vector_load %arg5[%swap3A_182, %swap3A_183] {strides = array<i32>} : memref<16x2048xf32, #tpu.memory_space<vmem>>, vector<16xf32>,
      tpu.vector_store %arg5[%swap3A_182, %swap3A_183], %broadcast_in_dim3A_3 {strides = array<i32>} : memref<16x2048xf32, #tpu.memory_space<vmem>>, vector<16xf32>,
      %scan3A_185 = arith.constant 7 : i32
      %scan3A_186 = arith.addi %scan3A_131, %scan3A_185 : i32
      %mul3A_187 = arith.constant 16 : i32
      %mul3A_188 = arith.muli %scan3A_186, %mul3A_187 : i32
      %swap3A_189 = arith.constant 5 : i32
      %swap3A_190 = arith.index_cast %swap3A_189 : i32 to index
      %swap3A_191 = arith.index_cast %mul3A_188 : i32 to index
      %swap3A_192 = tpu.vector_load %arg5[%swap3A_190, %swap3A_191] {strides = array<i32>} : memref<16x2048xf32, #tpu.memory_space<vmem>>, vector<16xf32>,
      tpu.vector_store %arg5[%swap3A_190, %swap3A_191], %broadcast_in_dim3A_3 {strides = array<i32>} : memref<16x2048xf32, #tpu.memory_space<vmem>>, vector<16xf32>,
    }
    %scan3A_44 = arith.constant 128 : i32
    %scan3A_45 = arith.constant 0 : i32
    %scan3A_46 = arith.constant 0 : i32
    %scan3A_47 = arith.constant 128 : i32
    %scan3A_48 = arith.addi %scan3A_46, %scan3A_47 : i32
    %scan3A_49 = arith.constant 8 : i32
    scf.for %scan3A_131 = %scan3A_46 to %scan3A_48 step %scan3A_49  : i32 {
      %mul3A_132 = arith.constant 16 : i32
      %mul3A_133 = arith.muli %scan3A_131, %mul3A_132 : i32
      %swap3A = arith.constant 6 : i32
      %swap3A_134 = arith.index_cast %swap3A : i32 to index
      %swap3A_135 = arith.index_cast %mul3A_133 : i32 to index
      %swap3A_136 = tpu.vector_load %arg5[%swap3A_134, %swap3A_135] {strides = array<i32>} : memref<16x2048xf32, #tpu.memory_space<vmem>>, vector<16xf32>,
      tpu.vector_store %arg5[%swap3A_134, %swap3A_135], %broadcast_in_dim3A_3 {strides = array<i32>} : memref<16x2048xf32, #tpu.memory_space<vmem>>, vector<16xf32>,
      %scan3A_137 = arith.constant 1 : i32
      %scan3A_138 = arith.addi %scan3A_131, %scan3A_137 : i32
      %mul3A_139 = arith.constant 16 : i32
      %mul3A_140 = arith.muli %scan3A_138, %mul3A_139 : i32
      %swap3A_141 = arith.constant 6 : i32
      %swap3A_142 = arith.index_cast %swap3A_141 : i32 to index
      %swap3A_143 = arith.index_cast %mul3A_140 : i32 to index
      %swap3A_144 = tpu.vector_load %arg5[%swap3A_142, %swap3A_143] {strides = array<i32>} : memref<16x2048xf32, #tpu.memory_space<vmem>>, vector<16xf32>,
      tpu.vector_store %arg5[%swap3A_142, %swap3A_143], %broadcast_in_dim3A_3 {strides = array<i32>} : memref<16x2048xf32, #tpu.memory_space<vmem>>, vector<16xf32>,
      %scan3A_145 = arith.constant 2 : i32
      %scan3A_146 = arith.addi %scan3A_131, %scan3A_145 : i32
      %mul3A_147 = arith.constant 16 : i32
      %mul3A_148 = arith.muli %scan3A_146, %mul3A_147 : i32
      %swap3A_149 = arith.constant 6 : i32
      %swap3A_150 = arith.index_cast %swap3A_149 : i32 to index
      %swap3A_151 = arith.index_cast %mul3A_148 : i32 to index
      %swap3A_152 = tpu.vector_load %arg5[%swap3A_150, %swap3A_151] {strides = array<i32>} : memref<16x2048xf32, #tpu.memory_space<vmem>>, vector<16xf32>,
      tpu.vector_store %arg5[%swap3A_150, %swap3A_151], %broadcast_in_dim3A_3 {strides = array<i32>} : memref<16x2048xf32, #tpu.memory_space<vmem>>, vector<16xf32>,
      %scan3A_153 = arith.constant 3 : i32
      %scan3A_154 = arith.addi %scan3A_131, %scan3A_153 : i32
      %mul3A_155 = arith.constant 16 : i32
      %mul3A_156 = arith.muli %scan3A_154, %mul3A_155 : i32
      %swap3A_157 = arith.constant 6 : i32
      %swap3A_158 = arith.index_cast %swap3A_157 : i32 to index
      %swap3A_159 = arith.index_cast %mul3A_156 : i32 to index
      %swap3A_160 = tpu.vector_load %arg5[%swap3A_158, %swap3A_159] {strides = array<i32>} : memref<16x2048xf32, #tpu.memory_space<vmem>>, vector<16xf32>,
      tpu.vector_store %arg5[%swap3A_158, %swap3A_159], %broadcast_in_dim3A_3 {strides = array<i32>} : memref<16x2048xf32, #tpu.memory_space<vmem>>, vector<16xf32>,
      %scan3A_161 = arith.constant 4 : i32
      %scan3A_162 = arith.addi %scan3A_131, %scan3A_161 : i32
      %mul3A_163 = arith.constant 16 : i32
      %mul3A_164 = arith.muli %scan3A_162, %mul3A_163 : i32
      %swap3A_165 = arith.constant 6 : i32
      %swap3A_166 = arith.index_cast %swap3A_165 : i32 to index
      %swap3A_167 = arith.index_cast %mul3A_164 : i32 to index
      %swap3A_168 = tpu.vector_load %arg5[%swap3A_166, %swap3A_167] {strides = array<i32>} : memref<16x2048xf32, #tpu.memory_space<vmem>>, vector<16xf32>,
      tpu.vector_store %arg5[%swap3A_166, %swap3A_167], %broadcast_in_dim3A_3 {strides = array<i32>} : memref<16x2048xf32, #tpu.memory_space<vmem>>, vector<16xf32>,
      %scan3A_169 = arith.constant 5 : i32
      %scan3A_170 = arith.addi %scan3A_131, %scan3A_169 : i32
      %mul3A_171 = arith.constant 16 : i32
      %mul3A_172 = arith.muli %scan3A_170, %mul3A_171 : i32
      %swap3A_173 = arith.constant 6 : i32
      %swap3A_174 = arith.index_cast %swap3A_173 : i32 to index
      %swap3A_175 = arith.index_cast %mul3A_172 : i32 to index
      %swap3A_176 = tpu.vector_load %arg5[%swap3A_174, %swap3A_175] {strides = array<i32>} : memref<16x2048xf32, #tpu.memory_space<vmem>>, vector<16xf32>,
      tpu.vector_store %arg5[%swap3A_174, %swap3A_175], %broadcast_in_dim3A_3 {strides = array<i32>} : memref<16x2048xf32, #tpu.memory_space<vmem>>, vector<16xf32>,
      %scan3A_177 = arith.constant 6 : i32
      %scan3A_178 = arith.addi %scan3A_131, %scan3A_177 : i32
      %mul3A_179 = arith.constant 16 : i32
      %mul3A_180 = arith.muli %scan3A_178, %mul3A_179 : i32
      %swap3A_181 = arith.constant 6 : i32
      %swap3A_182 = arith.index_cast %swap3A_181 : i32 to index
      %swap3A_183 = arith.index_cast %mul3A_180 : i32 to index
      %swap3A_184 = tpu.vector_load %arg5[%swap3A_182, %swap3A_183] {strides = array<i32>} : memref<16x2048xf32, #tpu.memory_space<vmem>>, vector<16xf32>,
      tpu.vector_store %arg5[%swap3A_182, %swap3A_183], %broadcast_in_dim3A_3 {strides = array<i32>} : memref<16x2048xf32, #tpu.memory_space<vmem>>, vector<16xf32>,
      %scan3A_185 = arith.constant 7 : i32
      %scan3A_186 = arith.addi %scan3A_131, %scan3A_185 : i32
      %mul3A_187 = arith.constant 16 : i32
      %mul3A_188 = arith.muli %scan3A_186, %mul3A_187 : i32
      %swap3A_189 = arith.constant 6 : i32
      %swap3A_190 = arith.index_cast %swap3A_189 : i32 to index
      %swap3A_191 = arith.index_cast %mul3A_188 : i32 to index
      %swap3A_192 = tpu.vector_load %arg5[%swap3A_190, %swap3A_191] {strides = array<i32>} : memref<16x2048xf32, #tpu.memory_space<vmem>>, vector<16xf32>,
      tpu.vector_store %arg5[%swap3A_190, %swap3A_191], %broadcast_in_dim3A_3 {strides = array<i32>} : memref<16x2048xf32, #tpu.memory_space<vmem>>, vector<16xf32>,
    }
    %scan3A_50 = arith.constant 128 : i32
    %scan3A_51 = arith.constant 0 : i32
    %scan3A_52 = arith.constant 0 : i32
    %scan3A_53 = arith.constant 128 : i32
    %scan3A_54 = arith.addi %scan3A_52, %scan3A_53 : i32
    %scan3A_55 = arith.constant 8 : i32
    scf.for %scan3A_131 = %scan3A_52 to %scan3A_54 step %scan3A_55  : i32 {
      %mul3A_132 = arith.constant 16 : i32
      %mul3A_133 = arith.muli %scan3A_131, %mul3A_132 : i32
      %swap3A = arith.constant 7 : i32
      %swap3A_134 = arith.index_cast %swap3A : i32 to index
      %swap3A_135 = arith.index_cast %mul3A_133 : i32 to index
      %swap3A_136 = tpu.vector_load %arg5[%swap3A_134, %swap3A_135] {strides = array<i32>} : memref<16x2048xf32, #tpu.memory_space<vmem>>, vector<16xf32>,
      tpu.vector_store %arg5[%swap3A_134, %swap3A_135], %broadcast_in_dim3A_3 {strides = array<i32>} : memref<16x2048xf32, #tpu.memory_space<vmem>>, vector<16xf32>,
      %scan3A_137 = arith.constant 1 : i32
      %scan3A_138 = arith.addi %scan3A_131, %scan3A_137 : i32
      %mul3A_139 = arith.constant 16 : i32
      %mul3A_140 = arith.muli %scan3A_138, %mul3A_139 : i32
      %swap3A_141 = arith.constant 7 : i32
      %swap3A_142 = arith.index_cast %swap3A_141 : i32 to index
      %swap3A_143 = arith.index_cast %mul3A_140 : i32 to index
      %swap3A_144 = tpu.vector_load %arg5[%swap3A_142, %swap3A_143] {strides = array<i32>} : memref<16x2048xf32, #tpu.memory_space<vmem>>, vector<16xf32>,
      tpu.vector_store %arg5[%swap3A_142, %swap3A_143], %broadcast_in_dim3A_3 {strides = array<i32>} : memref<16x2048xf32, #tpu.memory_space<vmem>>, vector<16xf32>,
      %scan3A_145 = arith.constant 2 : i32
      %scan3A_146 = arith.addi %scan3A_131, %scan3A_145 : i32
      %mul3A_147 = arith.constant 16 : i32
      %mul3A_148 = arith.muli %scan3A_146, %mul3A_147 : i32
      %swap3A_149 = arith.constant 7 : i32
      %swap3A_150 = arith.index_cast %swap3A_149 : i32 to index
      %swap3A_151 = arith.index_cast %mul3A_148 : i32 to index
      %swap3A_152 = tpu.vector_load %arg5[%swap3A_150, %swap3A_151] {strides = array<i32>} : memref<16x2048xf32, #tpu.memory_space<vmem>>, vector<16xf32>,
      tpu.vector_store %arg5[%swap3A_150, %swap3A_151], %broadcast_in_dim3A_3 {strides = array<i32>} : memref<16x2048xf32, #tpu.memory_space<vmem>>, vector<16xf32>,
      %scan3A_153 = arith.constant 3 : i32
      %scan3A_154 = arith.addi %scan3A_131, %scan3A_153 : i32
      %mul3A_155 = arith.constant 16 : i32
      %mul3A_156 = arith.muli %scan3A_154, %mul3A_155 : i32
      %swap3A_157 = arith.constant 7 : i32
      %swap3A_158 = arith.index_cast %swap3A_157 : i32 to index
      %swap3A_159 = arith.index_cast %mul3A_156 : i32 to index
      %swap3A_160 = tpu.vector_load %arg5[%swap3A_158, %swap3A_159] {strides = array<i32>} : memref<16x2048xf32, #tpu.memory_space<vmem>>, vector<16xf32>,
      tpu.vector_store %arg5[%swap3A_158, %swap3A_159], %broadcast_in_dim3A_3 {strides = array<i32>} : memref<16x2048xf32, #tpu.memory_space<vmem>>, vector<16xf32>,
      %scan3A_161 = arith.constant 4 : i32
      %scan3A_162 = arith.addi %scan3A_131, %scan3A_161 : i32
      %mul3A_163 = arith.constant 16 : i32
      %mul3A_164 = arith.muli %scan3A_162, %mul3A_163 : i32
      %swap3A_165 = arith.constant 7 : i32
      %swap3A_166 = arith.index_cast %swap3A_165 : i32 to index
      %swap3A_167 = arith.index_cast %mul3A_164 : i32 to index
      %swap3A_168 = tpu.vector_load %arg5[%swap3A_166, %swap3A_167] {strides = array<i32>} : memref<16x2048xf32, #tpu.memory_space<vmem>>, vector<16xf32>,
      tpu.vector_store %arg5[%swap3A_166, %swap3A_167], %broadcast_in_dim3A_3 {strides = array<i32>} : memref<16x2048xf32, #tpu.memory_space<vmem>>, vector<16xf32>,
      %scan3A_169 = arith.constant 5 : i32
      %scan3A_170 = arith.addi %scan3A_131, %scan3A_169 : i32
      %mul3A_171 = arith.constant 16 : i32
      %mul3A_172 = arith.muli %scan3A_170, %mul3A_171 : i32
      %swap3A_173 = arith.constant 7 : i32
      %swap3A_174 = arith.index_cast %swap3A_173 : i32 to index
      %swap3A_175 = arith.index_cast %mul3A_172 : i32 to index
      %swap3A_176 = tpu.vector_load %arg5[%swap3A_174, %swap3A_175] {strides = array<i32>} : memref<16x2048xf32, #tpu.memory_space<vmem>>, vector<16xf32>,
      tpu.vector_store %arg5[%swap3A_174, %swap3A_175], %broadcast_in_dim3A_3 {strides = array<i32>} : memref<16x2048xf32, #tpu.memory_space<vmem>>, vector<16xf32>,
      %scan3A_177 = arith.constant 6 : i32
      %scan3A_178 = arith.addi %scan3A_131, %scan3A_177 : i32
      %mul3A_179 = arith.constant 16 : i32
      %mul3A_180 = arith.muli %scan3A_178, %mul3A_179 : i32
      %swap3A_181 = arith.constant 7 : i32
      %swap3A_182 = arith.index_cast %swap3A_181 : i32 to index
      %swap3A_183 = arith.index_cast %mul3A_180 : i32 to index
      %swap3A_184 = tpu.vector_load %arg5[%swap3A_182, %swap3A_183] {strides = array<i32>} : memref<16x2048xf32, #tpu.memory_space<vmem>>, vector<16xf32>,
      tpu.vector_store %arg5[%swap3A_182, %swap3A_183], %broadcast_in_dim3A_3 {strides = array<i32>} : memref<16x2048xf32, #tpu.memory_space<vmem>>, vector<16xf32>,
      %scan3A_185 = arith.constant 7 : i32
      %scan3A_186 = arith.addi %scan3A_131, %scan3A_185 : i32
      %mul3A_187 = arith.constant 16 : i32
      %mul3A_188 = arith.muli %scan3A_186, %mul3A_187 : i32
      %swap3A_189 = arith.constant 7 : i32
      %swap3A_190 = arith.index_cast %swap3A_189 : i32 to index
      %swap3A_191 = arith.index_cast %mul3A_188 : i32 to index
      %swap3A_192 = tpu.vector_load %arg5[%swap3A_190, %swap3A_191] {strides = array<i32>} : memref<16x2048xf32, #tpu.memory_space<vmem>>, vector<16xf32>,
      tpu.vector_store %arg5[%swap3A_190, %swap3A_191], %broadcast_in_dim3A_3 {strides = array<i32>} : memref<16x2048xf32, #tpu.memory_space<vmem>>, vector<16xf32>,
    }
    %scan3A_56 = arith.constant 128 : i32
    %scan3A_57 = arith.constant 0 : i32
    %scan3A_58 = arith.constant 0 : i32
    %scan3A_59 = arith.constant 128 : i32
    %scan3A_60 = arith.addi %scan3A_58, %scan3A_59 : i32
    %scan3A_61 = arith.constant 8 : i32
    scf.for %scan3A_131 = %scan3A_58 to %scan3A_60 step %scan3A_61  : i32 {
      %mul3A_132 = arith.constant 16 : i32
      %mul3A_133 = arith.muli %scan3A_131, %mul3A_132 : i32
      %swap3A = arith.constant 8 : i32
      %swap3A_134 = arith.index_cast %swap3A : i32 to index
      %swap3A_135 = arith.index_cast %mul3A_133 : i32 to index
      %swap3A_136 = tpu.vector_load %arg5[%swap3A_134, %swap3A_135] {strides = array<i32>} : memref<16x2048xf32, #tpu.memory_space<vmem>>, vector<16xf32>,
      tpu.vector_store %arg5[%swap3A_134, %swap3A_135], %broadcast_in_dim3A_3 {strides = array<i32>} : memref<16x2048xf32, #tpu.memory_space<vmem>>, vector<16xf32>,
      %scan3A_137 = arith.constant 1 : i32
      %scan3A_138 = arith.addi %scan3A_131, %scan3A_137 : i32
      %mul3A_139 = arith.constant 16 : i32
      %mul3A_140 = arith.muli %scan3A_138, %mul3A_139 : i32
      %swap3A_141 = arith.constant 8 : i32
      %swap3A_142 = arith.index_cast %swap3A_141 : i32 to index
      %swap3A_143 = arith.index_cast %mul3A_140 : i32 to index
      %swap3A_144 = tpu.vector_load %arg5[%swap3A_142, %swap3A_143] {strides = array<i32>} : memref<16x2048xf32, #tpu.memory_space<vmem>>, vector<16xf32>,
      tpu.vector_store %arg5[%swap3A_142, %swap3A_143], %broadcast_in_dim3A_3 {strides = array<i32>} : memref<16x2048xf32, #tpu.memory_space<vmem>>, vector<16xf32>,
      %scan3A_145 = arith.constant 2 : i32
      %scan3A_146 = arith.addi %scan3A_131, %scan3A_145 : i32
      %mul3A_147 = arith.constant 16 : i32
      %mul3A_148 = arith.muli %scan3A_146, %mul3A_147 : i32
      %swap3A_149 = arith.constant 8 : i32
      %swap3A_150 = arith.index_cast %swap3A_149 : i32 to index
      %swap3A_151 = arith.index_cast %mul3A_148 : i32 to index
      %swap3A_152 = tpu.vector_load %arg5[%swap3A_150, %swap3A_151] {strides = array<i32>} : memref<16x2048xf32, #tpu.memory_space<vmem>>, vector<16xf32>,
      tpu.vector_store %arg5[%swap3A_150, %swap3A_151], %broadcast_in_dim3A_3 {strides = array<i32>} : memref<16x2048xf32, #tpu.memory_space<vmem>>, vector<16xf32>,
      %scan3A_153 = arith.constant 3 : i32
      %scan3A_154 = arith.addi %scan3A_131, %scan3A_153 : i32
      %mul3A_155 = arith.constant 16 : i32
      %mul3A_156 = arith.muli %scan3A_154, %mul3A_155 : i32
      %swap3A_157 = arith.constant 8 : i32
      %swap3A_158 = arith.index_cast %swap3A_157 : i32 to index
      %swap3A_159 = arith.index_cast %mul3A_156 : i32 to index
      %swap3A_160 = tpu.vector_load %arg5[%swap3A_158, %swap3A_159] {strides = array<i32>} : memref<16x2048xf32, #tpu.memory_space<vmem>>, vector<16xf32>,
      tpu.vector_store %arg5[%swap3A_158, %swap3A_159], %broadcast_in_dim3A_3 {strides = array<i32>} : memref<16x2048xf32, #tpu.memory_space<vmem>>, vector<16xf32>,
      %scan3A_161 = arith.constant 4 : i32
      %scan3A_162 = arith.addi %scan3A_131, %scan3A_161 : i32
      %mul3A_163 = arith.constant 16 : i32
      %mul3A_164 = arith.muli %scan3A_162, %mul3A_163 : i32
      %swap3A_165 = arith.constant 8 : i32
      %swap3A_166 = arith.index_cast %swap3A_165 : i32 to index
      %swap3A_167 = arith.index_cast %mul3A_164 : i32 to index
      %swap3A_168 = tpu.vector_load %arg5[%swap3A_166, %swap3A_167] {strides = array<i32>} : memref<16x2048xf32, #tpu.memory_space<vmem>>, vector<16xf32>,
      tpu.vector_store %arg5[%swap3A_166, %swap3A_167], %broadcast_in_dim3A_3 {strides = array<i32>} : memref<16x2048xf32, #tpu.memory_space<vmem>>, vector<16xf32>,
      %scan3A_169 = arith.constant 5 : i32
      %scan3A_170 = arith.addi %scan3A_131, %scan3A_169 : i32
      %mul3A_171 = arith.constant 16 : i32
      %mul3A_172 = arith.muli %scan3A_170, %mul3A_171 : i32
      %swap3A_173 = arith.constant 8 : i32
      %swap3A_174 = arith.index_cast %swap3A_173 : i32 to index
      %swap3A_175 = arith.index_cast %mul3A_172 : i32 to index
      %swap3A_176 = tpu.vector_load %arg5[%swap3A_174, %swap3A_175] {strides = array<i32>} : memref<16x2048xf32, #tpu.memory_space<vmem>>, vector<16xf32>,
      tpu.vector_store %arg5[%swap3A_174, %swap3A_175], %broadcast_in_dim3A_3 {strides = array<i32>} : memref<16x2048xf32, #tpu.memory_space<vmem>>, vector<16xf32>,
      %scan3A_177 = arith.constant 6 : i32
      %scan3A_178 = arith.addi %scan3A_131, %scan3A_177 : i32
      %mul3A_179 = arith.constant 16 : i32
      %mul3A_180 = arith.muli %scan3A_178, %mul3A_179 : i32
      %swap3A_181 = arith.constant 8 : i32
      %swap3A_182 = arith.index_cast %swap3A_181 : i32 to index
      %swap3A_183 = arith.index_cast %mul3A_180 : i32 to index
      %swap3A_184 = tpu.vector_load %arg5[%swap3A_182, %swap3A_183] {strides = array<i32>} : memref<16x2048xf32, #tpu.memory_space<vmem>>, vector<16xf32>,
      tpu.vector_store %arg5[%swap3A_182, %swap3A_183], %broadcast_in_dim3A_3 {strides = array<i32>} : memref<16x2048xf32, #tpu.memory_space<vmem>>, vector<16xf32>,
      %scan3A_185 = arith.constant 7 : i32
      %scan3A_186 = arith.addi %scan3A_131, %scan3A_185 : i32
      %mul3A_187 = arith.constant 16 : i32
      %mul3A_188 = arith.muli %scan3A_186, %mul3A_187 : i32
      %swap3A_189 = arith.constant 8 : i32
      %swap3A_190 = arith.index_cast %swap3A_189 : i32 to index
      %swap3A_191 = arith.index_cast %mul3A_188 : i32 to index
      %swap3A_192 = tpu.vector_load %arg5[%swap3A_190, %swap3A_191] {strides = array<i32>} : memref<16x2048xf32, #tpu.memory_space<vmem>>, vector<16xf32>,
      tpu.vector_store %arg5[%swap3A_190, %swap3A_191], %broadcast_in_dim3A_3 {strides = array<i32>} : memref<16x2048xf32, #tpu.memory_space<vmem>>, vector<16xf32>,
    }
    %scan3A_62 = arith.constant 128 : i32
    %scan3A_63 = arith.constant 0 : i32
    %scan3A_64 = arith.constant 0 : i32
    %scan3A_65 = arith.constant 128 : i32
    %scan3A_66 = arith.addi %scan3A_64, %scan3A_65 : i32
    %scan3A_67 = arith.constant 8 : i32
    scf.for %scan3A_131 = %scan3A_64 to %scan3A_66 step %scan3A_67  : i32 {
      %mul3A_132 = arith.constant 16 : i32
      %mul3A_133 = arith.muli %scan3A_131, %mul3A_132 : i32
      %swap3A = arith.constant 9 : i32
      %swap3A_134 = arith.index_cast %swap3A : i32 to index
      %swap3A_135 = arith.index_cast %mul3A_133 : i32 to index
      %swap3A_136 = tpu.vector_load %arg5[%swap3A_134, %swap3A_135] {strides = array<i32>} : memref<16x2048xf32, #tpu.memory_space<vmem>>, vector<16xf32>,
      tpu.vector_store %arg5[%swap3A_134, %swap3A_135], %broadcast_in_dim3A_3 {strides = array<i32>} : memref<16x2048xf32, #tpu.memory_space<vmem>>, vector<16xf32>,
      %scan3A_137 = arith.constant 1 : i32
      %scan3A_138 = arith.addi %scan3A_131, %scan3A_137 : i32
      %mul3A_139 = arith.constant 16 : i32
      %mul3A_140 = arith.muli %scan3A_138, %mul3A_139 : i32
      %swap3A_141 = arith.constant 9 : i32
      %swap3A_142 = arith.index_cast %swap3A_141 : i32 to index
      %swap3A_143 = arith.index_cast %mul3A_140 : i32 to index
      %swap3A_144 = tpu.vector_load %arg5[%swap3A_142, %swap3A_143] {strides = array<i32>} : memref<16x2048xf32, #tpu.memory_space<vmem>>, vector<16xf32>,
      tpu.vector_store %arg5[%swap3A_142, %swap3A_143], %broadcast_in_dim3A_3 {strides = array<i32>} : memref<16x2048xf32, #tpu.memory_space<vmem>>, vector<16xf32>,
      %scan3A_145 = arith.constant 2 : i32
      %scan3A_146 = arith.addi %scan3A_131, %scan3A_145 : i32
      %mul3A_147 = arith.constant 16 : i32
      %mul3A_148 = arith.muli %scan3A_146, %mul3A_147 : i32
      %swap3A_149 = arith.constant 9 : i32
      %swap3A_150 = arith.index_cast %swap3A_149 : i32 to index
      %swap3A_151 = arith.index_cast %mul3A_148 : i32 to index
      %swap3A_152 = tpu.vector_load %arg5[%swap3A_150, %swap3A_151] {strides = array<i32>} : memref<16x2048xf32, #tpu.memory_space<vmem>>, vector<16xf32>,
      tpu.vector_store %arg5[%swap3A_150, %swap3A_151], %broadcast_in_dim3A_3 {strides = array<i32>} : memref<16x2048xf32, #tpu.memory_space<vmem>>, vector<16xf32>,
      %scan3A_153 = arith.constant 3 : i32
      %scan3A_154 = arith.addi %scan3A_131, %scan3A_153 : i32
      %mul3A_155 = arith.constant 16 : i32
      %mul3A_156 = arith.muli %scan3A_154, %mul3A_155 : i32
      %swap3A_157 = arith.constant 9 : i32
      %swap3A_158 = arith.index_cast %swap3A_157 : i32 to index
      %swap3A_159 = arith.index_cast %mul3A_156 : i32 to index
      %swap3A_160 = tpu.vector_load %arg5[%swap3A_158, %swap3A_159] {strides = array<i32>} : memref<16x2048xf32, #tpu.memory_space<vmem>>, vector<16xf32>,
      tpu.vector_store %arg5[%swap3A_158, %swap3A_159], %broadcast_in_dim3A_3 {strides = array<i32>} : memref<16x2048xf32, #tpu.memory_space<vmem>>, vector<16xf32>,
      %scan3A_161 = arith.constant 4 : i32
      %scan3A_162 = arith.addi %scan3A_131, %scan3A_161 : i32
      %mul3A_163 = arith.constant 16 : i32
      %mul3A_164 = arith.muli %scan3A_162, %mul3A_163 : i32
      %swap3A_165 = arith.constant 9 : i32
      %swap3A_166 = arith.index_cast %swap3A_165 : i32 to index
      %swap3A_167 = arith.index_cast %mul3A_164 : i32 to index
      %swap3A_168 = tpu.vector_load %arg5[%swap3A_166, %swap3A_167] {strides = array<i32>} : memref<16x2048xf32, #tpu.memory_space<vmem>>, vector<16xf32>,
      tpu.vector_store %arg5[%swap3A_166, %swap3A_167], %broadcast_in_dim3A_3 {strides = array<i32>} : memref<16x2048xf32, #tpu.memory_space<vmem>>, vector<16xf32>,
      %scan3A_169 = arith.constant 5 : i32
      %scan3A_170 = arith.addi %scan3A_131, %scan3A_169 : i32
      %mul3A_171 = arith.constant 16 : i32
      %mul3A_172 = arith.muli %scan3A_170, %mul3A_171 : i32
      %swap3A_173 = arith.constant 9 : i32
      %swap3A_174 = arith.index_cast %swap3A_173 : i32 to index
      %swap3A_175 = arith.index_cast %mul3A_172 : i32 to index
      %swap3A_176 = tpu.vector_load %arg5[%swap3A_174, %swap3A_175] {strides = array<i32>} : memref<16x2048xf32, #tpu.memory_space<vmem>>, vector<16xf32>,
      tpu.vector_store %arg5[%swap3A_174, %swap3A_175], %broadcast_in_dim3A_3 {strides = array<i32>} : memref<16x2048xf32, #tpu.memory_space<vmem>>, vector<16xf32>,
      %scan3A_177 = arith.constant 6 : i32
      %scan3A_178 = arith.addi %scan3A_131, %scan3A_177 : i32
      %mul3A_179 = arith.constant 16 : i32
      %mul3A_180 = arith.muli %scan3A_178, %mul3A_179 : i32
      %swap3A_181 = arith.constant 9 : i32
      %swap3A_182 = arith.index_cast %swap3A_181 : i32 to index
      %swap3A_183 = arith.index_cast %mul3A_180 : i32 to index
      %swap3A_184 = tpu.vector_load %arg5[%swap3A_182, %swap3A_183] {strides = array<i32>} : memref<16x2048xf32, #tpu.memory_space<vmem>>, vector<16xf32>,
      tpu.vector_store %arg5[%swap3A_182, %swap3A_183], %broadcast_in_dim3A_3 {strides = array<i32>} : memref<16x2048xf32, #tpu.memory_space<vmem>>, vector<16xf32>,
      %scan3A_185 = arith.constant 7 : i32
      %scan3A_186 = arith.addi %scan3A_131, %scan3A_185 : i32
      %mul3A_187 = arith.constant 16 : i32
      %mul3A_188 = arith.muli %scan3A_186, %mul3A_187 : i32
      %swap3A_189 = arith.constant 9 : i32
      %swap3A_190 = arith.index_cast %swap3A_189 : i32 to index
      %swap3A_191 = arith.index_cast %mul3A_188 : i32 to index
      %swap3A_192 = tpu.vector_load %arg5[%swap3A_190, %swap3A_191] {strides = array<i32>} : memref<16x2048xf32, #tpu.memory_space<vmem>>, vector<16xf32>,
      tpu.vector_store %arg5[%swap3A_190, %swap3A_191], %broadcast_in_dim3A_3 {strides = array<i32>} : memref<16x2048xf32, #tpu.memory_space<vmem>>, vector<16xf32>,
    }
    %scan3A_68 = arith.constant 128 : i32
    %scan3A_69 = arith.constant 0 : i32
    %scan3A_70 = arith.constant 0 : i32
    %scan3A_71 = arith.constant 128 : i32
    %scan3A_72 = arith.addi %scan3A_70, %scan3A_71 : i32
    %scan3A_73 = arith.constant 8 : i32
    scf.for %scan3A_131 = %scan3A_70 to %scan3A_72 step %scan3A_73  : i32 {
      %mul3A_132 = arith.constant 16 : i32
      %mul3A_133 = arith.muli %scan3A_131, %mul3A_132 : i32
      %swap3A = arith.constant 10 : i32
      %swap3A_134 = arith.index_cast %swap3A : i32 to index
      %swap3A_135 = arith.index_cast %mul3A_133 : i32 to index
      %swap3A_136 = tpu.vector_load %arg5[%swap3A_134, %swap3A_135] {strides = array<i32>} : memref<16x2048xf32, #tpu.memory_space<vmem>>, vector<16xf32>,
      tpu.vector_store %arg5[%swap3A_134, %swap3A_135], %broadcast_in_dim3A_3 {strides = array<i32>} : memref<16x2048xf32, #tpu.memory_space<vmem>>, vector<16xf32>,
      %scan3A_137 = arith.constant 1 : i32
      %scan3A_138 = arith.addi %scan3A_131, %scan3A_137 : i32
      %mul3A_139 = arith.constant 16 : i32
      %mul3A_140 = arith.muli %scan3A_138, %mul3A_139 : i32
      %swap3A_141 = arith.constant 10 : i32
      %swap3A_142 = arith.index_cast %swap3A_141 : i32 to index
      %swap3A_143 = arith.index_cast %mul3A_140 : i32 to index
      %swap3A_144 = tpu.vector_load %arg5[%swap3A_142, %swap3A_143] {strides = array<i32>} : memref<16x2048xf32, #tpu.memory_space<vmem>>, vector<16xf32>,
      tpu.vector_store %arg5[%swap3A_142, %swap3A_143], %broadcast_in_dim3A_3 {strides = array<i32>} : memref<16x2048xf32, #tpu.memory_space<vmem>>, vector<16xf32>,
      %scan3A_145 = arith.constant 2 : i32
      %scan3A_146 = arith.addi %scan3A_131, %scan3A_145 : i32
      %mul3A_147 = arith.constant 16 : i32
      %mul3A_148 = arith.muli %scan3A_146, %mul3A_147 : i32
      %swap3A_149 = arith.constant 10 : i32
      %swap3A_150 = arith.index_cast %swap3A_149 : i32 to index
      %swap3A_151 = arith.index_cast %mul3A_148 : i32 to index
      %swap3A_152 = tpu.vector_load %arg5[%swap3A_150, %swap3A_151] {strides = array<i32>} : memref<16x2048xf32, #tpu.memory_space<vmem>>, vector<16xf32>,
      tpu.vector_store %arg5[%swap3A_150, %swap3A_151], %broadcast_in_dim3A_3 {strides = array<i32>} : memref<16x2048xf32, #tpu.memory_space<vmem>>, vector<16xf32>,
      %scan3A_153 = arith.constant 3 : i32
      %scan3A_154 = arith.addi %scan3A_131, %scan3A_153 : i32
      %mul3A_155 = arith.constant 16 : i32
      %mul3A_156 = arith.muli %scan3A_154, %mul3A_155 : i32
      %swap3A_157 = arith.constant 10 : i32
      %swap3A_158 = arith.index_cast %swap3A_157 : i32 to index
      %swap3A_159 = arith.index_cast %mul3A_156 : i32 to index
      %swap3A_160 = tpu.vector_load %arg5[%swap3A_158, %swap3A_159] {strides = array<i32>} : memref<16x2048xf32, #tpu.memory_space<vmem>>, vector<16xf32>,
      tpu.vector_store %arg5[%swap3A_158, %swap3A_159], %broadcast_in_dim3A_3 {strides = array<i32>} : memref<16x2048xf32, #tpu.memory_space<vmem>>, vector<16xf32>,
      %scan3A_161 = arith.constant 4 : i32
      %scan3A_162 = arith.addi %scan3A_131, %scan3A_161 : i32
      %mul3A_163 = arith.constant 16 : i32
      %mul3A_164 = arith.muli %scan3A_162, %mul3A_163 : i32
      %swap3A_165 = arith.constant 10 : i32
      %swap3A_166 = arith.index_cast %swap3A_165 : i32 to index
      %swap3A_167 = arith.index_cast %mul3A_164 : i32 to index
      %swap3A_168 = tpu.vector_load %arg5[%swap3A_166, %swap3A_167] {strides = array<i32>} : memref<16x2048xf32, #tpu.memory_space<vmem>>, vector<16xf32>,
      tpu.vector_store %arg5[%swap3A_166, %swap3A_167], %broadcast_in_dim3A_3 {strides = array<i32>} : memref<16x2048xf32, #tpu.memory_space<vmem>>, vector<16xf32>,
      %scan3A_169 = arith.constant 5 : i32
      %scan3A_170 = arith.addi %scan3A_131, %scan3A_169 : i32
      %mul3A_171 = arith.constant 16 : i32
      %mul3A_172 = arith.muli %scan3A_170, %mul3A_171 : i32
      %swap3A_173 = arith.constant 10 : i32
      %swap3A_174 = arith.index_cast %swap3A_173 : i32 to index
      %swap3A_175 = arith.index_cast %mul3A_172 : i32 to index
      %swap3A_176 = tpu.vector_load %arg5[%swap3A_174, %swap3A_175] {strides = array<i32>} : memref<16x2048xf32, #tpu.memory_space<vmem>>, vector<16xf32>,
      tpu.vector_store %arg5[%swap3A_174, %swap3A_175], %broadcast_in_dim3A_3 {strides = array<i32>} : memref<16x2048xf32, #tpu.memory_space<vmem>>, vector<16xf32>,
      %scan3A_177 = arith.constant 6 : i32
      %scan3A_178 = arith.addi %scan3A_131, %scan3A_177 : i32
      %mul3A_179 = arith.constant 16 : i32
      %mul3A_180 = arith.muli %scan3A_178, %mul3A_179 : i32
      %swap3A_181 = arith.constant 10 : i32
      %swap3A_182 = arith.index_cast %swap3A_181 : i32 to index
      %swap3A_183 = arith.index_cast %mul3A_180 : i32 to index
      %swap3A_184 = tpu.vector_load %arg5[%swap3A_182, %swap3A_183] {strides = array<i32>} : memref<16x2048xf32, #tpu.memory_space<vmem>>, vector<16xf32>,
      tpu.vector_store %arg5[%swap3A_182, %swap3A_183], %broadcast_in_dim3A_3 {strides = array<i32>} : memref<16x2048xf32, #tpu.memory_space<vmem>>, vector<16xf32>,
      %scan3A_185 = arith.constant 7 : i32
      %scan3A_186 = arith.addi %scan3A_131, %scan3A_185 : i32
      %mul3A_187 = arith.constant 16 : i32
      %mul3A_188 = arith.muli %scan3A_186, %mul3A_187 : i32
      %swap3A_189 = arith.constant 10 : i32
      %swap3A_190 = arith.index_cast %swap3A_189 : i32 to index
      %swap3A_191 = arith.index_cast %mul3A_188 : i32 to index
      %swap3A_192 = tpu.vector_load %arg5[%swap3A_190, %swap3A_191] {strides = array<i32>} : memref<16x2048xf32, #tpu.memory_space<vmem>>, vector<16xf32>,
      tpu.vector_store %arg5[%swap3A_190, %swap3A_191], %broadcast_in_dim3A_3 {strides = array<i32>} : memref<16x2048xf32, #tpu.memory_space<vmem>>, vector<16xf32>,
    }
    %scan3A_74 = arith.constant 128 : i32
    %scan3A_75 = arith.constant 0 : i32
    %scan3A_76 = arith.constant 0 : i32
    %scan3A_77 = arith.constant 128 : i32
    %scan3A_78 = arith.addi %scan3A_76, %scan3A_77 : i32
    %scan3A_79 = arith.constant 8 : i32
    scf.for %scan3A_131 = %scan3A_76 to %scan3A_78 step %scan3A_79  : i32 {
      %mul3A_132 = arith.constant 16 : i32
      %mul3A_133 = arith.muli %scan3A_131, %mul3A_132 : i32
      %swap3A = arith.constant 11 : i32
      %swap3A_134 = arith.index_cast %swap3A : i32 to index
      %swap3A_135 = arith.index_cast %mul3A_133 : i32 to index
      %swap3A_136 = tpu.vector_load %arg5[%swap3A_134, %swap3A_135] {strides = array<i32>} : memref<16x2048xf32, #tpu.memory_space<vmem>>, vector<16xf32>,
      tpu.vector_store %arg5[%swap3A_134, %swap3A_135], %broadcast_in_dim3A_3 {strides = array<i32>} : memref<16x2048xf32, #tpu.memory_space<vmem>>, vector<16xf32>,
      %scan3A_137 = arith.constant 1 : i32
      %scan3A_138 = arith.addi %scan3A_131, %scan3A_137 : i32
      %mul3A_139 = arith.constant 16 : i32
      %mul3A_140 = arith.muli %scan3A_138, %mul3A_139 : i32
      %swap3A_141 = arith.constant 11 : i32
      %swap3A_142 = arith.index_cast %swap3A_141 : i32 to index
      %swap3A_143 = arith.index_cast %mul3A_140 : i32 to index
      %swap3A_144 = tpu.vector_load %arg5[%swap3A_142, %swap3A_143] {strides = array<i32>} : memref<16x2048xf32, #tpu.memory_space<vmem>>, vector<16xf32>,
      tpu.vector_store %arg5[%swap3A_142, %swap3A_143], %broadcast_in_dim3A_3 {strides = array<i32>} : memref<16x2048xf32, #tpu.memory_space<vmem>>, vector<16xf32>,
      %scan3A_145 = arith.constant 2 : i32
      %scan3A_146 = arith.addi %scan3A_131, %scan3A_145 : i32
      %mul3A_147 = arith.constant 16 : i32
      %mul3A_148 = arith.muli %scan3A_146, %mul3A_147 : i32
      %swap3A_149 = arith.constant 11 : i32
      %swap3A_150 = arith.index_cast %swap3A_149 : i32 to index
      %swap3A_151 = arith.index_cast %mul3A_148 : i32 to index
      %swap3A_152 = tpu.vector_load %arg5[%swap3A_150, %swap3A_151] {strides = array<i32>} : memref<16x2048xf32, #tpu.memory_space<vmem>>, vector<16xf32>,
      tpu.vector_store %arg5[%swap3A_150, %swap3A_151], %broadcast_in_dim3A_3 {strides = array<i32>} : memref<16x2048xf32, #tpu.memory_space<vmem>>, vector<16xf32>,
      %scan3A_153 = arith.constant 3 : i32
      %scan3A_154 = arith.addi %scan3A_131, %scan3A_153 : i32
      %mul3A_155 = arith.constant 16 : i32
      %mul3A_156 = arith.muli %scan3A_154, %mul3A_155 : i32
      %swap3A_157 = arith.constant 11 : i32
      %swap3A_158 = arith.index_cast %swap3A_157 : i32 to index
      %swap3A_159 = arith.index_cast %mul3A_156 : i32 to index
      %swap3A_160 = tpu.vector_load %arg5[%swap3A_158, %swap3A_159] {strides = array<i32>} : memref<16x2048xf32, #tpu.memory_space<vmem>>, vector<16xf32>,
      tpu.vector_store %arg5[%swap3A_158, %swap3A_159], %broadcast_in_dim3A_3 {strides = array<i32>} : memref<16x2048xf32, #tpu.memory_space<vmem>>, vector<16xf32>,
      %scan3A_161 = arith.constant 4 : i32
      %scan3A_162 = arith.addi %scan3A_131, %scan3A_161 : i32
      %mul3A_163 = arith.constant 16 : i32
      %mul3A_164 = arith.muli %scan3A_162, %mul3A_163 : i32
      %swap3A_165 = arith.constant 11 : i32
      %swap3A_166 = arith.index_cast %swap3A_165 : i32 to index
      %swap3A_167 = arith.index_cast %mul3A_164 : i32 to index
      %swap3A_168 = tpu.vector_load %arg5[%swap3A_166, %swap3A_167] {strides = array<i32>} : memref<16x2048xf32, #tpu.memory_space<vmem>>, vector<16xf32>,
      tpu.vector_store %arg5[%swap3A_166, %swap3A_167], %broadcast_in_dim3A_3 {strides = array<i32>} : memref<16x2048xf32, #tpu.memory_space<vmem>>, vector<16xf32>,
      %scan3A_169 = arith.constant 5 : i32
      %scan3A_170 = arith.addi %scan3A_131, %scan3A_169 : i32
      %mul3A_171 = arith.constant 16 : i32
      %mul3A_172 = arith.muli %scan3A_170, %mul3A_171 : i32
      %swap3A_173 = arith.constant 11 : i32
      %swap3A_174 = arith.index_cast %swap3A_173 : i32 to index
      %swap3A_175 = arith.index_cast %mul3A_172 : i32 to index
      %swap3A_176 = tpu.vector_load %arg5[%swap3A_174, %swap3A_175] {strides = array<i32>} : memref<16x2048xf32, #tpu.memory_space<vmem>>, vector<16xf32>,
      tpu.vector_store %arg5[%swap3A_174, %swap3A_175], %broadcast_in_dim3A_3 {strides = array<i32>} : memref<16x2048xf32, #tpu.memory_space<vmem>>, vector<16xf32>,
      %scan3A_177 = arith.constant 6 : i32
      %scan3A_178 = arith.addi %scan3A_131, %scan3A_177 : i32
      %mul3A_179 = arith.constant 16 : i32
      %mul3A_180 = arith.muli %scan3A_178, %mul3A_179 : i32
      %swap3A_181 = arith.constant 11 : i32
      %swap3A_182 = arith.index_cast %swap3A_181 : i32 to index
      %swap3A_183 = arith.index_cast %mul3A_180 : i32 to index
      %swap3A_184 = tpu.vector_load %arg5[%swap3A_182, %swap3A_183] {strides = array<i32>} : memref<16x2048xf32, #tpu.memory_space<vmem>>, vector<16xf32>,
      tpu.vector_store %arg5[%swap3A_182, %swap3A_183], %broadcast_in_dim3A_3 {strides = array<i32>} : memref<16x2048xf32, #tpu.memory_space<vmem>>, vector<16xf32>,
      %scan3A_185 = arith.constant 7 : i32
      %scan3A_186 = arith.addi %scan3A_131, %scan3A_185 : i32
      %mul3A_187 = arith.constant 16 : i32
      %mul3A_188 = arith.muli %scan3A_186, %mul3A_187 : i32
      %swap3A_189 = arith.constant 11 : i32
      %swap3A_190 = arith.index_cast %swap3A_189 : i32 to index
      %swap3A_191 = arith.index_cast %mul3A_188 : i32 to index
      %swap3A_192 = tpu.vector_load %arg5[%swap3A_190, %swap3A_191] {strides = array<i32>} : memref<16x2048xf32, #tpu.memory_space<vmem>>, vector<16xf32>,
      tpu.vector_store %arg5[%swap3A_190, %swap3A_191], %broadcast_in_dim3A_3 {strides = array<i32>} : memref<16x2048xf32, #tpu.memory_space<vmem>>, vector<16xf32>,
    }
    %scan3A_80 = arith.constant 128 : i32
    %scan3A_81 = arith.constant 0 : i32
    %scan3A_82 = arith.constant 0 : i32
    %scan3A_83 = arith.constant 128 : i32
    %scan3A_84 = arith.addi %scan3A_82, %scan3A_83 : i32
    %scan3A_85 = arith.constant 8 : i32
    scf.for %scan3A_131 = %scan3A_82 to %scan3A_84 step %scan3A_85  : i32 {
      %mul3A_132 = arith.constant 16 : i32
      %mul3A_133 = arith.muli %scan3A_131, %mul3A_132 : i32
      %swap3A = arith.constant 12 : i32
      %swap3A_134 = arith.index_cast %swap3A : i32 to index
      %swap3A_135 = arith.index_cast %mul3A_133 : i32 to index
      %swap3A_136 = tpu.vector_load %arg5[%swap3A_134, %swap3A_135] {strides = array<i32>} : memref<16x2048xf32, #tpu.memory_space<vmem>>, vector<16xf32>,
      tpu.vector_store %arg5[%swap3A_134, %swap3A_135], %broadcast_in_dim3A_3 {strides = array<i32>} : memref<16x2048xf32, #tpu.memory_space<vmem>>, vector<16xf32>,
      %scan3A_137 = arith.constant 1 : i32
      %scan3A_138 = arith.addi %scan3A_131, %scan3A_137 : i32
      %mul3A_139 = arith.constant 16 : i32
      %mul3A_140 = arith.muli %scan3A_138, %mul3A_139 : i32
      %swap3A_141 = arith.constant 12 : i32
      %swap3A_142 = arith.index_cast %swap3A_141 : i32 to index
      %swap3A_143 = arith.index_cast %mul3A_140 : i32 to index
      %swap3A_144 = tpu.vector_load %arg5[%swap3A_142, %swap3A_143] {strides = array<i32>} : memref<16x2048xf32, #tpu.memory_space<vmem>>, vector<16xf32>,
      tpu.vector_store %arg5[%swap3A_142, %swap3A_143], %broadcast_in_dim3A_3 {strides = array<i32>} : memref<16x2048xf32, #tpu.memory_space<vmem>>, vector<16xf32>,
      %scan3A_145 = arith.constant 2 : i32
      %scan3A_146 = arith.addi %scan3A_131, %scan3A_145 : i32
      %mul3A_147 = arith.constant 16 : i32
      %mul3A_148 = arith.muli %scan3A_146, %mul3A_147 : i32
      %swap3A_149 = arith.constant 12 : i32
      %swap3A_150 = arith.index_cast %swap3A_149 : i32 to index
      %swap3A_151 = arith.index_cast %mul3A_148 : i32 to index
      %swap3A_152 = tpu.vector_load %arg5[%swap3A_150, %swap3A_151] {strides = array<i32>} : memref<16x2048xf32, #tpu.memory_space<vmem>>, vector<16xf32>,
      tpu.vector_store %arg5[%swap3A_150, %swap3A_151], %broadcast_in_dim3A_3 {strides = array<i32>} : memref<16x2048xf32, #tpu.memory_space<vmem>>, vector<16xf32>,
      %scan3A_153 = arith.constant 3 : i32
      %scan3A_154 = arith.addi %scan3A_131, %scan3A_153 : i32
      %mul3A_155 = arith.constant 16 : i32
      %mul3A_156 = arith.muli %scan3A_154, %mul3A_155 : i32
      %swap3A_157 = arith.constant 12 : i32
      %swap3A_158 = arith.index_cast %swap3A_157 : i32 to index
      %swap3A_159 = arith.index_cast %mul3A_156 : i32 to index
      %swap3A_160 = tpu.vector_load %arg5[%swap3A_158, %swap3A_159] {strides = array<i32>} : memref<16x2048xf32, #tpu.memory_space<vmem>>, vector<16xf32>,
      tpu.vector_store %arg5[%swap3A_158, %swap3A_159], %broadcast_in_dim3A_3 {strides = array<i32>} : memref<16x2048xf32, #tpu.memory_space<vmem>>, vector<16xf32>,
      %scan3A_161 = arith.constant 4 : i32
      %scan3A_162 = arith.addi %scan3A_131, %scan3A_161 : i32
      %mul3A_163 = arith.constant 16 : i32
      %mul3A_164 = arith.muli %scan3A_162, %mul3A_163 : i32
      %swap3A_165 = arith.constant 12 : i32
      %swap3A_166 = arith.index_cast %swap3A_165 : i32 to index
      %swap3A_167 = arith.index_cast %mul3A_164 : i32 to index
      %swap3A_168 = tpu.vector_load %arg5[%swap3A_166, %swap3A_167] {strides = array<i32>} : memref<16x2048xf32, #tpu.memory_space<vmem>>, vector<16xf32>,
      tpu.vector_store %arg5[%swap3A_166, %swap3A_167], %broadcast_in_dim3A_3 {strides = array<i32>} : memref<16x2048xf32, #tpu.memory_space<vmem>>, vector<16xf32>,
      %scan3A_169 = arith.constant 5 : i32
      %scan3A_170 = arith.addi %scan3A_131, %scan3A_169 : i32
      %mul3A_171 = arith.constant 16 : i32
      %mul3A_172 = arith.muli %scan3A_170, %mul3A_171 : i32
      %swap3A_173 = arith.constant 12 : i32
      %swap3A_174 = arith.index_cast %swap3A_173 : i32 to index
      %swap3A_175 = arith.index_cast %mul3A_172 : i32 to index
      %swap3A_176 = tpu.vector_load %arg5[%swap3A_174, %swap3A_175] {strides = array<i32>} : memref<16x2048xf32, #tpu.memory_space<vmem>>, vector<16xf32>,
      tpu.vector_store %arg5[%swap3A_174, %swap3A_175], %broadcast_in_dim3A_3 {strides = array<i32>} : memref<16x2048xf32, #tpu.memory_space<vmem>>, vector<16xf32>,
      %scan3A_177 = arith.constant 6 : i32
      %scan3A_178 = arith.addi %scan3A_131, %scan3A_177 : i32
      %mul3A_179 = arith.constant 16 : i32
      %mul3A_180 = arith.muli %scan3A_178, %mul3A_179 : i32
      %swap3A_181 = arith.constant 12 : i32
      %swap3A_182 = arith.index_cast %swap3A_181 : i32 to index
      %swap3A_183 = arith.index_cast %mul3A_180 : i32 to index
      %swap3A_184 = tpu.vector_load %arg5[%swap3A_182, %swap3A_183] {strides = array<i32>} : memref<16x2048xf32, #tpu.memory_space<vmem>>, vector<16xf32>,
      tpu.vector_store %arg5[%swap3A_182, %swap3A_183], %broadcast_in_dim3A_3 {strides = array<i32>} : memref<16x2048xf32, #tpu.memory_space<vmem>>, vector<16xf32>,
      %scan3A_185 = arith.constant 7 : i32
      %scan3A_186 = arith.addi %scan3A_131, %scan3A_185 : i32
      %mul3A_187 = arith.constant 16 : i32
      %mul3A_188 = arith.muli %scan3A_186, %mul3A_187 : i32
      %swap3A_189 = arith.constant 12 : i32
      %swap3A_190 = arith.index_cast %swap3A_189 : i32 to index
      %swap3A_191 = arith.index_cast %mul3A_188 : i32 to index
      %swap3A_192 = tpu.vector_load %arg5[%swap3A_190, %swap3A_191] {strides = array<i32>} : memref<16x2048xf32, #tpu.memory_space<vmem>>, vector<16xf32>,
      tpu.vector_store %arg5[%swap3A_190, %swap3A_191], %broadcast_in_dim3A_3 {strides = array<i32>} : memref<16x2048xf32, #tpu.memory_space<vmem>>, vector<16xf32>,
    }
    %scan3A_86 = arith.constant 128 : i32
    %scan3A_87 = arith.constant 0 : i32
    %scan3A_88 = arith.constant 0 : i32
    %scan3A_89 = arith.constant 128 : i32
    %scan3A_90 = arith.addi %scan3A_88, %scan3A_89 : i32
    %scan3A_91 = arith.constant 8 : i32
    scf.for %scan3A_131 = %scan3A_88 to %scan3A_90 step %scan3A_91  : i32 {
      %mul3A_132 = arith.constant 16 : i32
      %mul3A_133 = arith.muli %scan3A_131, %mul3A_132 : i32
      %swap3A = arith.constant 13 : i32
      %swap3A_134 = arith.index_cast %swap3A : i32 to index
      %swap3A_135 = arith.index_cast %mul3A_133 : i32 to index
      %swap3A_136 = tpu.vector_load %arg5[%swap3A_134, %swap3A_135] {strides = array<i32>} : memref<16x2048xf32, #tpu.memory_space<vmem>>, vector<16xf32>,
      tpu.vector_store %arg5[%swap3A_134, %swap3A_135], %broadcast_in_dim3A_3 {strides = array<i32>} : memref<16x2048xf32, #tpu.memory_space<vmem>>, vector<16xf32>,
      %scan3A_137 = arith.constant 1 : i32
      %scan3A_138 = arith.addi %scan3A_131, %scan3A_137 : i32
      %mul3A_139 = arith.constant 16 : i32
      %mul3A_140 = arith.muli %scan3A_138, %mul3A_139 : i32
      %swap3A_141 = arith.constant 13 : i32
      %swap3A_142 = arith.index_cast %swap3A_141 : i32 to index
      %swap3A_143 = arith.index_cast %mul3A_140 : i32 to index
      %swap3A_144 = tpu.vector_load %arg5[%swap3A_142, %swap3A_143] {strides = array<i32>} : memref<16x2048xf32, #tpu.memory_space<vmem>>, vector<16xf32>,
      tpu.vector_store %arg5[%swap3A_142, %swap3A_143], %broadcast_in_dim3A_3 {strides = array<i32>} : memref<16x2048xf32, #tpu.memory_space<vmem>>, vector<16xf32>,
      %scan3A_145 = arith.constant 2 : i32
      %scan3A_146 = arith.addi %scan3A_131, %scan3A_145 : i32
      %mul3A_147 = arith.constant 16 : i32
      %mul3A_148 = arith.muli %scan3A_146, %mul3A_147 : i32
      %swap3A_149 = arith.constant 13 : i32
      %swap3A_150 = arith.index_cast %swap3A_149 : i32 to index
      %swap3A_151 = arith.index_cast %mul3A_148 : i32 to index
      %swap3A_152 = tpu.vector_load %arg5[%swap3A_150, %swap3A_151] {strides = array<i32>} : memref<16x2048xf32, #tpu.memory_space<vmem>>, vector<16xf32>,
      tpu.vector_store %arg5[%swap3A_150, %swap3A_151], %broadcast_in_dim3A_3 {strides = array<i32>} : memref<16x2048xf32, #tpu.memory_space<vmem>>, vector<16xf32>,
      %scan3A_153 = arith.constant 3 : i32
      %scan3A_154 = arith.addi %scan3A_131, %scan3A_153 : i32
      %mul3A_155 = arith.constant 16 : i32
      %mul3A_156 = arith.muli %scan3A_154, %mul3A_155 : i32
      %swap3A_157 = arith.constant 13 : i32
      %swap3A_158 = arith.index_cast %swap3A_157 : i32 to index
      %swap3A_159 = arith.index_cast %mul3A_156 : i32 to index
      %swap3A_160 = tpu.vector_load %arg5[%swap3A_158, %swap3A_159] {strides = array<i32>} : memref<16x2048xf32, #tpu.memory_space<vmem>>, vector<16xf32>,
      tpu.vector_store %arg5[%swap3A_158, %swap3A_159], %broadcast_in_dim3A_3 {strides = array<i32>} : memref<16x2048xf32, #tpu.memory_space<vmem>>, vector<16xf32>,
      %scan3A_161 = arith.constant 4 : i32
      %scan3A_162 = arith.addi %scan3A_131, %scan3A_161 : i32
      %mul3A_163 = arith.constant 16 : i32
      %mul3A_164 = arith.muli %scan3A_162, %mul3A_163 : i32
      %swap3A_165 = arith.constant 13 : i32
      %swap3A_166 = arith.index_cast %swap3A_165 : i32 to index
      %swap3A_167 = arith.index_cast %mul3A_164 : i32 to index
      %swap3A_168 = tpu.vector_load %arg5[%swap3A_166, %swap3A_167] {strides = array<i32>} : memref<16x2048xf32, #tpu.memory_space<vmem>>, vector<16xf32>,
      tpu.vector_store %arg5[%swap3A_166, %swap3A_167], %broadcast_in_dim3A_3 {strides = array<i32>} : memref<16x2048xf32, #tpu.memory_space<vmem>>, vector<16xf32>,
      %scan3A_169 = arith.constant 5 : i32
      %scan3A_170 = arith.addi %scan3A_131, %scan3A_169 : i32
      %mul3A_171 = arith.constant 16 : i32
      %mul3A_172 = arith.muli %scan3A_170, %mul3A_171 : i32
      %swap3A_173 = arith.constant 13 : i32
      %swap3A_174 = arith.index_cast %swap3A_173 : i32 to index
      %swap3A_175 = arith.index_cast %mul3A_172 : i32 to index
      %swap3A_176 = tpu.vector_load %arg5[%swap3A_174, %swap3A_175] {strides = array<i32>} : memref<16x2048xf32, #tpu.memory_space<vmem>>, vector<16xf32>,
      tpu.vector_store %arg5[%swap3A_174, %swap3A_175], %broadcast_in_dim3A_3 {strides = array<i32>} : memref<16x2048xf32, #tpu.memory_space<vmem>>, vector<16xf32>,
      %scan3A_177 = arith.constant 6 : i32
      %scan3A_178 = arith.addi %scan3A_131, %scan3A_177 : i32
      %mul3A_179 = arith.constant 16 : i32
      %mul3A_180 = arith.muli %scan3A_178, %mul3A_179 : i32
      %swap3A_181 = arith.constant 13 : i32
      %swap3A_182 = arith.index_cast %swap3A_181 : i32 to index
      %swap3A_183 = arith.index_cast %mul3A_180 : i32 to index
      %swap3A_184 = tpu.vector_load %arg5[%swap3A_182, %swap3A_183] {strides = array<i32>} : memref<16x2048xf32, #tpu.memory_space<vmem>>, vector<16xf32>,
      tpu.vector_store %arg5[%swap3A_182, %swap3A_183], %broadcast_in_dim3A_3 {strides = array<i32>} : memref<16x2048xf32, #tpu.memory_space<vmem>>, vector<16xf32>,
      %scan3A_185 = arith.constant 7 : i32
      %scan3A_186 = arith.addi %scan3A_131, %scan3A_185 : i32
      %mul3A_187 = arith.constant 16 : i32
      %mul3A_188 = arith.muli %scan3A_186, %mul3A_187 : i32
      %swap3A_189 = arith.constant 13 : i32
      %swap3A_190 = arith.index_cast %swap3A_189 : i32 to index
      %swap3A_191 = arith.index_cast %mul3A_188 : i32 to index
      %swap3A_192 = tpu.vector_load %arg5[%swap3A_190, %swap3A_191] {strides = array<i32>} : memref<16x2048xf32, #tpu.memory_space<vmem>>, vector<16xf32>,
      tpu.vector_store %arg5[%swap3A_190, %swap3A_191], %broadcast_in_dim3A_3 {strides = array<i32>} : memref<16x2048xf32, #tpu.memory_space<vmem>>, vector<16xf32>,
    }
    %scan3A_92 = arith.constant 128 : i32
    %scan3A_93 = arith.constant 0 : i32
    %scan3A_94 = arith.constant 0 : i32
    %scan3A_95 = arith.constant 128 : i32
    %scan3A_96 = arith.addi %scan3A_94, %scan3A_95 : i32
    %scan3A_97 = arith.constant 8 : i32
    scf.for %scan3A_131 = %scan3A_94 to %scan3A_96 step %scan3A_97  : i32 {
      %mul3A_132 = arith.constant 16 : i32
      %mul3A_133 = arith.muli %scan3A_131, %mul3A_132 : i32
      %swap3A = arith.constant 14 : i32
      %swap3A_134 = arith.index_cast %swap3A : i32 to index
      %swap3A_135 = arith.index_cast %mul3A_133 : i32 to index
      %swap3A_136 = tpu.vector_load %arg5[%swap3A_134, %swap3A_135] {strides = array<i32>} : memref<16x2048xf32, #tpu.memory_space<vmem>>, vector<16xf32>,
      tpu.vector_store %arg5[%swap3A_134, %swap3A_135], %broadcast_in_dim3A_3 {strides = array<i32>} : memref<16x2048xf32, #tpu.memory_space<vmem>>, vector<16xf32>,
      %scan3A_137 = arith.constant 1 : i32
      %scan3A_138 = arith.addi %scan3A_131, %scan3A_137 : i32
      %mul3A_139 = arith.constant 16 : i32
      %mul3A_140 = arith.muli %scan3A_138, %mul3A_139 : i32
      %swap3A_141 = arith.constant 14 : i32
      %swap3A_142 = arith.index_cast %swap3A_141 : i32 to index
      %swap3A_143 = arith.index_cast %mul3A_140 : i32 to index
      %swap3A_144 = tpu.vector_load %arg5[%swap3A_142, %swap3A_143] {strides = array<i32>} : memref<16x2048xf32, #tpu.memory_space<vmem>>, vector<16xf32>,
      tpu.vector_store %arg5[%swap3A_142, %swap3A_143], %broadcast_in_dim3A_3 {strides = array<i32>} : memref<16x2048xf32, #tpu.memory_space<vmem>>, vector<16xf32>,
      %scan3A_145 = arith.constant 2 : i32
      %scan3A_146 = arith.addi %scan3A_131, %scan3A_145 : i32
      %mul3A_147 = arith.constant 16 : i32
      %mul3A_148 = arith.muli %scan3A_146, %mul3A_147 : i32
      %swap3A_149 = arith.constant 14 : i32
      %swap3A_150 = arith.index_cast %swap3A_149 : i32 to index
      %swap3A_151 = arith.index_cast %mul3A_148 : i32 to index
      %swap3A_152 = tpu.vector_load %arg5[%swap3A_150, %swap3A_151] {strides = array<i32>} : memref<16x2048xf32, #tpu.memory_space<vmem>>, vector<16xf32>,
      tpu.vector_store %arg5[%swap3A_150, %swap3A_151], %broadcast_in_dim3A_3 {strides = array<i32>} : memref<16x2048xf32, #tpu.memory_space<vmem>>, vector<16xf32>,
      %scan3A_153 = arith.constant 3 : i32
      %scan3A_154 = arith.addi %scan3A_131, %scan3A_153 : i32
      %mul3A_155 = arith.constant 16 : i32
      %mul3A_156 = arith.muli %scan3A_154, %mul3A_155 : i32
      %swap3A_157 = arith.constant 14 : i32
      %swap3A_158 = arith.index_cast %swap3A_157 : i32 to index
      %swap3A_159 = arith.index_cast %mul3A_156 : i32 to index
      %swap3A_160 = tpu.vector_load %arg5[%swap3A_158, %swap3A_159] {strides = array<i32>} : memref<16x2048xf32, #tpu.memory_space<vmem>>, vector<16xf32>,
      tpu.vector_store %arg5[%swap3A_158, %swap3A_159], %broadcast_in_dim3A_3 {strides = array<i32>} : memref<16x2048xf32, #tpu.memory_space<vmem>>, vector<16xf32>,
      %scan3A_161 = arith.constant 4 : i32
      %scan3A_162 = arith.addi %scan3A_131, %scan3A_161 : i32
      %mul3A_163 = arith.constant 16 : i32
      %mul3A_164 = arith.muli %scan3A_162, %mul3A_163 : i32
      %swap3A_165 = arith.constant 14 : i32
      %swap3A_166 = arith.index_cast %swap3A_165 : i32 to index
      %swap3A_167 = arith.index_cast %mul3A_164 : i32 to index
      %swap3A_168 = tpu.vector_load %arg5[%swap3A_166, %swap3A_167] {strides = array<i32>} : memref<16x2048xf32, #tpu.memory_space<vmem>>, vector<16xf32>,
      tpu.vector_store %arg5[%swap3A_166, %swap3A_167], %broadcast_in_dim3A_3 {strides = array<i32>} : memref<16x2048xf32, #tpu.memory_space<vmem>>, vector<16xf32>,
      %scan3A_169 = arith.constant 5 : i32
      %scan3A_170 = arith.addi %scan3A_131, %scan3A_169 : i32
      %mul3A_171 = arith.constant 16 : i32
      %mul3A_172 = arith.muli %scan3A_170, %mul3A_171 : i32
      %swap3A_173 = arith.constant 14 : i32
      %swap3A_174 = arith.index_cast %swap3A_173 : i32 to index
      %swap3A_175 = arith.index_cast %mul3A_172 : i32 to index
      %swap3A_176 = tpu.vector_load %arg5[%swap3A_174, %swap3A_175] {strides = array<i32>} : memref<16x2048xf32, #tpu.memory_space<vmem>>, vector<16xf32>,
      tpu.vector_store %arg5[%swap3A_174, %swap3A_175], %broadcast_in_dim3A_3 {strides = array<i32>} : memref<16x2048xf32, #tpu.memory_space<vmem>>, vector<16xf32>,
      %scan3A_177 = arith.constant 6 : i32
      %scan3A_178 = arith.addi %scan3A_131, %scan3A_177 : i32
      %mul3A_179 = arith.constant 16 : i32
      %mul3A_180 = arith.muli %scan3A_178, %mul3A_179 : i32
      %swap3A_181 = arith.constant 14 : i32
      %swap3A_182 = arith.index_cast %swap3A_181 : i32 to index
      %swap3A_183 = arith.index_cast %mul3A_180 : i32 to index
      %swap3A_184 = tpu.vector_load %arg5[%swap3A_182, %swap3A_183] {strides = array<i32>} : memref<16x2048xf32, #tpu.memory_space<vmem>>, vector<16xf32>,
      tpu.vector_store %arg5[%swap3A_182, %swap3A_183], %broadcast_in_dim3A_3 {strides = array<i32>} : memref<16x2048xf32, #tpu.memory_space<vmem>>, vector<16xf32>,
      %scan3A_185 = arith.constant 7 : i32
      %scan3A_186 = arith.addi %scan3A_131, %scan3A_185 : i32
      %mul3A_187 = arith.constant 16 : i32
      %mul3A_188 = arith.muli %scan3A_186, %mul3A_187 : i32
      %swap3A_189 = arith.constant 14 : i32
      %swap3A_190 = arith.index_cast %swap3A_189 : i32 to index
      %swap3A_191 = arith.index_cast %mul3A_188 : i32 to index
      %swap3A_192 = tpu.vector_load %arg5[%swap3A_190, %swap3A_191] {strides = array<i32>} : memref<16x2048xf32, #tpu.memory_space<vmem>>, vector<16xf32>,
      tpu.vector_store %arg5[%swap3A_190, %swap3A_191], %broadcast_in_dim3A_3 {strides = array<i32>} : memref<16x2048xf32, #tpu.memory_space<vmem>>, vector<16xf32>,
    }
    %scan3A_98 = arith.constant 128 : i32
    %scan3A_99 = arith.constant 0 : i32
    %scan3A_100 = arith.constant 0 : i32
    %scan3A_101 = arith.constant 128 : i32
    %scan3A_102 = arith.addi %scan3A_100, %scan3A_101 : i32
    %scan3A_103 = arith.constant 8 : i32
    scf.for %scan3A_131 = %scan3A_100 to %scan3A_102 step %scan3A_103  : i32 {
      %mul3A_132 = arith.constant 16 : i32
      %mul3A_133 = arith.muli %scan3A_131, %mul3A_132 : i32
      %swap3A = arith.constant 15 : i32
      %swap3A_134 = arith.index_cast %swap3A : i32 to index
      %swap3A_135 = arith.index_cast %mul3A_133 : i32 to index
      %swap3A_136 = tpu.vector_load %arg5[%swap3A_134, %swap3A_135] {strides = array<i32>} : memref<16x2048xf32, #tpu.memory_space<vmem>>, vector<16xf32>,
      tpu.vector_store %arg5[%swap3A_134, %swap3A_135], %broadcast_in_dim3A_3 {strides = array<i32>} : memref<16x2048xf32, #tpu.memory_space<vmem>>, vector<16xf32>,
      %scan3A_137 = arith.constant 1 : i32
      %scan3A_138 = arith.addi %scan3A_131, %scan3A_137 : i32
      %mul3A_139 = arith.constant 16 : i32
      %mul3A_140 = arith.muli %scan3A_138, %mul3A_139 : i32
      %swap3A_141 = arith.constant 15 : i32
      %swap3A_142 = arith.index_cast %swap3A_141 : i32 to index
      %swap3A_143 = arith.index_cast %mul3A_140 : i32 to index
      %swap3A_144 = tpu.vector_load %arg5[%swap3A_142, %swap3A_143] {strides = array<i32>} : memref<16x2048xf32, #tpu.memory_space<vmem>>, vector<16xf32>,
      tpu.vector_store %arg5[%swap3A_142, %swap3A_143], %broadcast_in_dim3A_3 {strides = array<i32>} : memref<16x2048xf32, #tpu.memory_space<vmem>>, vector<16xf32>,
      %scan3A_145 = arith.constant 2 : i32
      %scan3A_146 = arith.addi %scan3A_131, %scan3A_145 : i32
      %mul3A_147 = arith.constant 16 : i32
      %mul3A_148 = arith.muli %scan3A_146, %mul3A_147 : i32
      %swap3A_149 = arith.constant 15 : i32
      %swap3A_150 = arith.index_cast %swap3A_149 : i32 to index
      %swap3A_151 = arith.index_cast %mul3A_148 : i32 to index
      %swap3A_152 = tpu.vector_load %arg5[%swap3A_150, %swap3A_151] {strides = array<i32>} : memref<16x2048xf32, #tpu.memory_space<vmem>>, vector<16xf32>,
      tpu.vector_store %arg5[%swap3A_150, %swap3A_151], %broadcast_in_dim3A_3 {strides = array<i32>} : memref<16x2048xf32, #tpu.memory_space<vmem>>, vector<16xf32>,
      %scan3A_153 = arith.constant 3 : i32
      %scan3A_154 = arith.addi %scan3A_131, %scan3A_153 : i32
      %mul3A_155 = arith.constant 16 : i32
      %mul3A_156 = arith.muli %scan3A_154, %mul3A_155 : i32
      %swap3A_157 = arith.constant 15 : i32
      %swap3A_158 = arith.index_cast %swap3A_157 : i32 to index
      %swap3A_159 = arith.index_cast %mul3A_156 : i32 to index
      %swap3A_160 = tpu.vector_load %arg5[%swap3A_158, %swap3A_159] {strides = array<i32>} : memref<16x2048xf32, #tpu.memory_space<vmem>>, vector<16xf32>,
      tpu.vector_store %arg5[%swap3A_158, %swap3A_159], %broadcast_in_dim3A_3 {strides = array<i32>} : memref<16x2048xf32, #tpu.memory_space<vmem>>, vector<16xf32>,
      %scan3A_161 = arith.constant 4 : i32
      %scan3A_162 = arith.addi %scan3A_131, %scan3A_161 : i32
      %mul3A_163 = arith.constant 16 : i32
      %mul3A_164 = arith.muli %scan3A_162, %mul3A_163 : i32
      %swap3A_165 = arith.constant 15 : i32
      %swap3A_166 = arith.index_cast %swap3A_165 : i32 to index
      %swap3A_167 = arith.index_cast %mul3A_164 : i32 to index
      %swap3A_168 = tpu.vector_load %arg5[%swap3A_166, %swap3A_167] {strides = array<i32>} : memref<16x2048xf32, #tpu.memory_space<vmem>>, vector<16xf32>,
      tpu.vector_store %arg5[%swap3A_166, %swap3A_167], %broadcast_in_dim3A_3 {strides = array<i32>} : memref<16x2048xf32, #tpu.memory_space<vmem>>, vector<16xf32>,
      %scan3A_169 = arith.constant 5 : i32
      %scan3A_170 = arith.addi %scan3A_131, %scan3A_169 : i32
      %mul3A_171 = arith.constant 16 : i32
      %mul3A_172 = arith.muli %scan3A_170, %mul3A_171 : i32
      %swap3A_173 = arith.constant 15 : i32
      %swap3A_174 = arith.index_cast %swap3A_173 : i32 to index
      %swap3A_175 = arith.index_cast %mul3A_172 : i32 to index
      %swap3A_176 = tpu.vector_load %arg5[%swap3A_174, %swap3A_175] {strides = array<i32>} : memref<16x2048xf32, #tpu.memory_space<vmem>>, vector<16xf32>,
      tpu.vector_store %arg5[%swap3A_174, %swap3A_175], %broadcast_in_dim3A_3 {strides = array<i32>} : memref<16x2048xf32, #tpu.memory_space<vmem>>, vector<16xf32>,
      %scan3A_177 = arith.constant 6 : i32
      %scan3A_178 = arith.addi %scan3A_131, %scan3A_177 : i32
      %mul3A_179 = arith.constant 16 : i32
      %mul3A_180 = arith.muli %scan3A_178, %mul3A_179 : i32
      %swap3A_181 = arith.constant 15 : i32
      %swap3A_182 = arith.index_cast %swap3A_181 : i32 to index
      %swap3A_183 = arith.index_cast %mul3A_180 : i32 to index
      %swap3A_184 = tpu.vector_load %arg5[%swap3A_182, %swap3A_183] {strides = array<i32>} : memref<16x2048xf32, #tpu.memory_space<vmem>>, vector<16xf32>,
      tpu.vector_store %arg5[%swap3A_182, %swap3A_183], %broadcast_in_dim3A_3 {strides = array<i32>} : memref<16x2048xf32, #tpu.memory_space<vmem>>, vector<16xf32>,
      %scan3A_185 = arith.constant 7 : i32
      %scan3A_186 = arith.addi %scan3A_131, %scan3A_185 : i32
      %mul3A_187 = arith.constant 16 : i32
      %mul3A_188 = arith.muli %scan3A_186, %mul3A_187 : i32
      %swap3A_189 = arith.constant 15 : i32
      %swap3A_190 = arith.index_cast %swap3A_189 : i32 to index
      %swap3A_191 = arith.index_cast %mul3A_188 : i32 to index
      %swap3A_192 = tpu.vector_load %arg5[%swap3A_190, %swap3A_191] {strides = array<i32>} : memref<16x2048xf32, #tpu.memory_space<vmem>>, vector<16xf32>,
      tpu.vector_store %arg5[%swap3A_190, %swap3A_191], %broadcast_in_dim3A_3 {strides = array<i32>} : memref<16x2048xf32, #tpu.memory_space<vmem>>, vector<16xf32>,
    }
    %scan3A_104 = arith.constant 128 : i32
    %mul3A_105 = arith.constant 2 : i32
    %mul3A_106 = arith.muli %add3A, %mul3A_105 : i32
    %add3A_107 = arith.constant 0 : i32
    %add3A_108 = arith.addi %mul3A_106, %add3A_107 : i32
    "tpu.region"() ({
      %run_scoped3A = tpu.sem_alloc : memref<!tpu.dma_semaphore, #tpu.memory_space<semaphore_mem>>
      %dma_start3A = arith.constant 0 : i32
      %dma_start3A_131 = tpu.memref_slice %arg2[%add3A_108, %dma_start3A] : memref<64x2048xi32, #tpu.memory_space<hbm>> -> memref<1x2048xi32, #tpu.memory_space<hbm>>
      %dma_start3A_132 = tpu.memref_squeeze %dma_start3A_131 : memref<1x2048xi32, #tpu.memory_space<hbm>> -> memref<2048xi32, #tpu.memory_space<hbm>>
      %dma_start3A_133 = arith.constant 0 : i32
      %dma_start3A_134 = tpu.memref_slice %arg2[%add3A_108, %dma_start3A_133] : memref<64x2048xi32, #tpu.memory_space<hbm>> -> memref<1x2048xi32, #tpu.memory_space<hbm>>
      %dma_start3A_135 = tpu.memref_squeeze %dma_start3A_134 : memref<1x2048xi32, #tpu.memory_space<hbm>> -> memref<2048xi32, #tpu.memory_space<hbm>>
      tpu.enqueue_dma source(%dma_start3A_135 : memref<2048xi32, #tpu.memory_space<hbm>>) target(%arg4 : memref<2048xi32, #tpu.memory_space<vmem>>) target_semaphore(%run_scoped3A : memref<!tpu.dma_semaphore, #tpu.memory_space<semaphore_mem>>)
      %dma_wait3A = arith.constant 0 : i32
      %dma_wait3A_136 = tpu.memref_slice %arg2[%add3A_108, %dma_wait3A] : memref<64x2048xi32, #tpu.memory_space<hbm>> -> memref<1x2048xi32, #tpu.memory_space<hbm>>
      %dma_wait3A_137 = tpu.memref_squeeze %dma_wait3A_136 : memref<1x2048xi32, #tpu.memory_space<hbm>> -> memref<2048xi32, #tpu.memory_space<hbm>>
      %dma_wait3A_138 = arith.constant 0 : i32
      %dma_wait3A_139 = tpu.memref_slice %arg2[%add3A_108, %dma_wait3A_138] : memref<64x2048xi32, #tpu.memory_space<hbm>> -> memref<1x2048xi32, #tpu.memory_space<hbm>>
      %dma_wait3A_140 = tpu.memref_squeeze %dma_wait3A_139 : memref<1x2048xi32, #tpu.memory_space<hbm>> -> memref<2048xi32, #tpu.memory_space<hbm>>
      tpu.wait_dma2 semaphore(%run_scoped3A : memref<!tpu.dma_semaphore, #tpu.memory_space<semaphore_mem>>) src(%dma_wait3A_140 : memref<2048xi32, #tpu.memory_space<hbm>>) dst(%arg4 : memref<2048xi32, #tpu.memory_space<vmem>>)
      tpu.yield
    }) : () -> ()
    %scan3A_109 = arith.constant 0 : i32
    %scan3A_110 = arith.constant 0 : i32
    %scan3A_111 = arith.constant 128 : i32
    %scan3A_112 = arith.addi %scan3A_110, %scan3A_111 : i32
    %scan3A_113 = arith.constant 4 : i32
    scf.for %scan3A_131 = %scan3A_110 to %scan3A_112 step %scan3A_113  : i32 {
      %mul3A_132 = arith.constant 16 : i32
      %mul3A_133 = arith.muli %scan3A_131, %mul3A_132 : i32
      %get3A = arith.index_cast %mul3A_133 : i32 to index
      %get3A_134 = tpu.vector_load %arg4[%get3A] {strides = array<i32>} : memref<2048xi32, #tpu.memory_space<vmem>>, vector<16xi32>,
      %max3A = arith.maxsi %get3A_134, %broadcast_in_dim3A_5 : vector<16xi32>
      %min3A = arith.minsi %max3A, %broadcast_in_dim3A_7 : vector<16xi32>
      %and3A = arith.andi %min3A, %broadcast_in_dim3A_9 : vector<16xi32>
      %shift_right_logical3A = arith.constant 4 : i32
      %shift_right_logical3A_135 = vector.broadcast %shift_right_logical3A : i32 to vector<16xi32>
      %shift_right_logical3A_136 = arith.shrui %min3A, %shift_right_logical3A_135 : vector<16xi32>
      tpu.vector_store_idx %arg5[%and3A, %shift_right_logical3A_136], %broadcast_in_dim3A_1 {add = true} : memref<16x2048xf32, #tpu.memory_space<vmem>>[vector<16xi32>, vector<16xi32>], vector<16xf32>,
      %scan3A_137 = arith.constant 1 : i32
      %scan3A_138 = arith.addi %scan3A_131, %scan3A_137 : i32
      %mul3A_139 = arith.constant 16 : i32
      %mul3A_140 = arith.muli %scan3A_138, %mul3A_139 : i32
      %get3A_141 = arith.index_cast %mul3A_140 : i32 to index
      %get3A_142 = tpu.vector_load %arg4[%get3A_141] {strides = array<i32>} : memref<2048xi32, #tpu.memory_space<vmem>>, vector<16xi32>,
      %max3A_143 = arith.maxsi %get3A_142, %broadcast_in_dim3A_5 : vector<16xi32>
      %min3A_144 = arith.minsi %max3A_143, %broadcast_in_dim3A_7 : vector<16xi32>
      %and3A_145 = arith.andi %min3A_144, %broadcast_in_dim3A_9 : vector<16xi32>
      %shift_right_logical3A_146 = arith.constant 4 : i32
      %shift_right_logical3A_147 = vector.broadcast %shift_right_logical3A_146 : i32 to vector<16xi32>
      %shift_right_logical3A_148 = arith.shrui %min3A_144, %shift_right_logical3A_147 : vector<16xi32>
      tpu.vector_store_idx %arg5[%and3A_145, %shift_right_logical3A_148], %broadcast_in_dim3A_1 {add = true} : memref<16x2048xf32, #tpu.memory_space<vmem>>[vector<16xi32>, vector<16xi32>], vector<16xf32>,
      %scan3A_149 = arith.constant 2 : i32
      %scan3A_150 = arith.addi %scan3A_131, %scan3A_149 : i32
      %mul3A_151 = arith.constant 16 : i32
      %mul3A_152 = arith.muli %scan3A_150, %mul3A_151 : i32
      %get3A_153 = arith.index_cast %mul3A_152 : i32 to index
      %get3A_154 = tpu.vector_load %arg4[%get3A_153] {strides = array<i32>} : memref<2048xi32, #tpu.memory_space<vmem>>, vector<16xi32>,
      %max3A_155 = arith.maxsi %get3A_154, %broadcast_in_dim3A_5 : vector<16xi32>
      %min3A_156 = arith.minsi %max3A_155, %broadcast_in_dim3A_7 : vector<16xi32>
      %and3A_157 = arith.andi %min3A_156, %broadcast_in_dim3A_9 : vector<16xi32>
      %shift_right_logical3A_158 = arith.constant 4 : i32
      %shift_right_logical3A_159 = vector.broadcast %shift_right_logical3A_158 : i32 to vector<16xi32>
      %shift_right_logical3A_160 = arith.shrui %min3A_156, %shift_right_logical3A_159 : vector<16xi32>
      tpu.vector_store_idx %arg5[%and3A_157, %shift_right_logical3A_160], %broadcast_in_dim3A_1 {add = true} : memref<16x2048xf32, #tpu.memory_space<vmem>>[vector<16xi32>, vector<16xi32>], vector<16xf32>,
      %scan3A_161 = arith.constant 3 : i32
      %scan3A_162 = arith.addi %scan3A_131, %scan3A_161 : i32
      %mul3A_163 = arith.constant 16 : i32
      %mul3A_164 = arith.muli %scan3A_162, %mul3A_163 : i32
      %get3A_165 = arith.index_cast %mul3A_164 : i32 to index
      %get3A_166 = tpu.vector_load %arg4[%get3A_165] {strides = array<i32>} : memref<2048xi32, #tpu.memory_space<vmem>>, vector<16xi32>,
      %max3A_167 = arith.maxsi %get3A_166, %broadcast_in_dim3A_5 : vector<16xi32>
      %min3A_168 = arith.minsi %max3A_167, %broadcast_in_dim3A_7 : vector<16xi32>
      %and3A_169 = arith.andi %min3A_168, %broadcast_in_dim3A_9 : vector<16xi32>
      %shift_right_logical3A_170 = arith.constant 4 : i32
      %shift_right_logical3A_171 = vector.broadcast %shift_right_logical3A_170 : i32 to vector<16xi32>
      %shift_right_logical3A_172 = arith.shrui %min3A_168, %shift_right_logical3A_171 : vector<16xi32>
      tpu.vector_store_idx %arg5[%and3A_169, %shift_right_logical3A_172], %broadcast_in_dim3A_1 {add = true} : memref<16x2048xf32, #tpu.memory_space<vmem>>[vector<16xi32>, vector<16xi32>], vector<16xf32>,
    }
    %scan3A_114 = arith.constant 128 : i32
    "tpu.region"() ({
      %run_scoped3A = tpu.sem_alloc : memref<!tpu.dma_semaphore, #tpu.memory_space<semaphore_mem>>
      %dma_start3A = arith.constant 0 : i32
      %dma_start3A_131 = arith.constant 0 : i32
      %dma_start3A_132 = tpu.memref_slice %arg3[%dma_start3A, %add3A_108, %dma_start3A_131] : memref<16x64x2048xf32, #tpu.memory_space<hbm>> -> memref<16x1x2048xf32, #tpu.memory_space<hbm>>
      %dma_start3A_133 = tpu.memref_squeeze %dma_start3A_132 : memref<16x1x2048xf32, #tpu.memory_space<hbm>> -> memref<16x2048xf32, #tpu.memory_space<hbm>>
      %dma_start3A_134 = arith.constant 0 : i32
      %dma_start3A_135 = arith.constant 0 : i32
      %dma_start3A_136 = tpu.memref_slice %arg3[%dma_start3A_134, %add3A_108, %dma_start3A_135] : memref<16x64x2048xf32, #tpu.memory_space<hbm>> -> memref<16x1x2048xf32, #tpu.memory_space<hbm>>
      %dma_start3A_137 = tpu.memref_squeeze %dma_start3A_136 : memref<16x1x2048xf32, #tpu.memory_space<hbm>> -> memref<16x2048xf32, #tpu.memory_space<hbm>>
      tpu.enqueue_dma source(%arg5 : memref<16x2048xf32, #tpu.memory_space<vmem>>) target(%dma_start3A_137 : memref<16x2048xf32, #tpu.memory_space<hbm>>) target_semaphore(%run_scoped3A : memref<!tpu.dma_semaphore, #tpu.memory_space<semaphore_mem>>)
      %dma_wait3A = arith.constant 0 : i32
      %dma_wait3A_138 = arith.constant 0 : i32
      %dma_wait3A_139 = tpu.memref_slice %arg3[%dma_wait3A, %add3A_108, %dma_wait3A_138] : memref<16x64x2048xf32, #tpu.memory_space<hbm>> -> memref<16x1x2048xf32, #tpu.memory_space<hbm>>
      %dma_wait3A_140 = tpu.memref_squeeze %dma_wait3A_139 : memref<16x1x2048xf32, #tpu.memory_space<hbm>> -> memref<16x2048xf32, #tpu.memory_space<hbm>>
      %dma_wait3A_141 = arith.constant 0 : i32
      %dma_wait3A_142 = arith.constant 0 : i32
      %dma_wait3A_143 = tpu.memref_slice %arg3[%dma_wait3A_141, %add3A_108, %dma_wait3A_142] : memref<16x64x2048xf32, #tpu.memory_space<hbm>> -> memref<16x1x2048xf32, #tpu.memory_space<hbm>>
      %dma_wait3A_144 = tpu.memref_squeeze %dma_wait3A_143 : memref<16x1x2048xf32, #tpu.memory_space<hbm>> -> memref<16x2048xf32, #tpu.memory_space<hbm>>
      tpu.wait_dma2 semaphore(%run_scoped3A : memref<!tpu.dma_semaphore, #tpu.memory_space<semaphore_mem>>) src(%arg5 : memref<16x2048xf32, #tpu.memory_space<vmem>>) dst(%dma_wait3A_144 : memref<16x2048xf32, #tpu.memory_space<hbm>>)
      tpu.yield
    }) : () -> ()
    %scan3A_115 = arith.constant 0 : i32
    %scan3A_116 = arith.constant 0 : i32
    %scan3A_117 = arith.constant 128 : i32
    %scan3A_118 = arith.addi %scan3A_116, %scan3A_117 : i32
    %scan3A_119 = arith.constant 4 : i32
    scf.for %scan3A_131 = %scan3A_116 to %scan3A_118 step %scan3A_119  : i32 {
      %mul3A_132 = arith.constant 16 : i32
      %mul3A_133 = arith.muli %scan3A_131, %mul3A_132 : i32
      %get3A = arith.index_cast %mul3A_133 : i32 to index
      %get3A_134 = tpu.vector_load %arg4[%get3A] {strides = array<i32>} : memref<2048xi32, #tpu.memory_space<vmem>>, vector<16xi32>,
      %max3A = arith.maxsi %get3A_134, %broadcast_in_dim3A_5 : vector<16xi32>
      %min3A = arith.minsi %max3A, %broadcast_in_dim3A_7 : vector<16xi32>
      %and3A = arith.andi %min3A, %broadcast_in_dim3A_9 : vector<16xi32>
      %shift_right_logical3A = arith.constant 4 : i32
      %shift_right_logical3A_135 = vector.broadcast %shift_right_logical3A : i32 to vector<16xi32>
      %shift_right_logical3A_136 = arith.shrui %min3A, %shift_right_logical3A_135 : vector<16xi32>
      tpu.vector_store_idx %arg5[%and3A, %shift_right_logical3A_136], %broadcast_in_dim3A_3 : memref<16x2048xf32, #tpu.memory_space<vmem>>[vector<16xi32>, vector<16xi32>], vector<16xf32>,
      %scan3A_137 = arith.constant 1 : i32
      %scan3A_138 = arith.addi %scan3A_131, %scan3A_137 : i32
      %mul3A_139 = arith.constant 16 : i32
      %mul3A_140 = arith.muli %scan3A_138, %mul3A_139 : i32
      %get3A_141 = arith.index_cast %mul3A_140 : i32 to index
      %get3A_142 = tpu.vector_load %arg4[%get3A_141] {strides = array<i32>} : memref<2048xi32, #tpu.memory_space<vmem>>, vector<16xi32>,
      %max3A_143 = arith.maxsi %get3A_142, %broadcast_in_dim3A_5 : vector<16xi32>
      %min3A_144 = arith.minsi %max3A_143, %broadcast_in_dim3A_7 : vector<16xi32>
      %and3A_145 = arith.andi %min3A_144, %broadcast_in_dim3A_9 : vector<16xi32>
      %shift_right_logical3A_146 = arith.constant 4 : i32
      %shift_right_logical3A_147 = vector.broadcast %shift_right_logical3A_146 : i32 to vector<16xi32>
      %shift_right_logical3A_148 = arith.shrui %min3A_144, %shift_right_logical3A_147 : vector<16xi32>
      tpu.vector_store_idx %arg5[%and3A_145, %shift_right_logical3A_148], %broadcast_in_dim3A_3 : memref<16x2048xf32, #tpu.memory_space<vmem>>[vector<16xi32>, vector<16xi32>], vector<16xf32>,
      %scan3A_149 = arith.constant 2 : i32
      %scan3A_150 = arith.addi %scan3A_131, %scan3A_149 : i32
      %mul3A_151 = arith.constant 16 : i32
      %mul3A_152 = arith.muli %scan3A_150, %mul3A_151 : i32
      %get3A_153 = arith.index_cast %mul3A_152 : i32 to index
      %get3A_154 = tpu.vector_load %arg4[%get3A_153] {strides = array<i32>} : memref<2048xi32, #tpu.memory_space<vmem>>, vector<16xi32>,
      %max3A_155 = arith.maxsi %get3A_154, %broadcast_in_dim3A_5 : vector<16xi32>
      %min3A_156 = arith.minsi %max3A_155, %broadcast_in_dim3A_7 : vector<16xi32>
      %and3A_157 = arith.andi %min3A_156, %broadcast_in_dim3A_9 : vector<16xi32>
      %shift_right_logical3A_158 = arith.constant 4 : i32
      %shift_right_logical3A_159 = vector.broadcast %shift_right_logical3A_158 : i32 to vector<16xi32>
      %shift_right_logical3A_160 = arith.shrui %min3A_156, %shift_right_logical3A_159 : vector<16xi32>
      tpu.vector_store_idx %arg5[%and3A_157, %shift_right_logical3A_160], %broadcast_in_dim3A_3 : memref<16x2048xf32, #tpu.memory_space<vmem>>[vector<16xi32>, vector<16xi32>], vector<16xf32>,
      %scan3A_161 = arith.constant 3 : i32
      %scan3A_162 = arith.addi %scan3A_131, %scan3A_161 : i32
      %mul3A_163 = arith.constant 16 : i32
      %mul3A_164 = arith.muli %scan3A_162, %mul3A_163 : i32
      %get3A_165 = arith.index_cast %mul3A_164 : i32 to index
      %get3A_166 = tpu.vector_load %arg4[%get3A_165] {strides = array<i32>} : memref<2048xi32, #tpu.memory_space<vmem>>, vector<16xi32>,
      %max3A_167 = arith.maxsi %get3A_166, %broadcast_in_dim3A_5 : vector<16xi32>
      %min3A_168 = arith.minsi %max3A_167, %broadcast_in_dim3A_7 : vector<16xi32>
      %and3A_169 = arith.andi %min3A_168, %broadcast_in_dim3A_9 : vector<16xi32>
      %shift_right_logical3A_170 = arith.constant 4 : i32
      %shift_right_logical3A_171 = vector.broadcast %shift_right_logical3A_170 : i32 to vector<16xi32>
      %shift_right_logical3A_172 = arith.shrui %min3A_168, %shift_right_logical3A_171 : vector<16xi32>
      tpu.vector_store_idx %arg5[%and3A_169, %shift_right_logical3A_172], %broadcast_in_dim3A_3 : memref<16x2048xf32, #tpu.memory_space<vmem>>[vector<16xi32>, vector<16xi32>], vector<16xf32>,
    }
    %scan3A_120 = arith.constant 128 : i32
    %mul3A_121 = arith.constant 2 : i32
    %mul3A_122 = arith.muli %add3A, %mul3A_121 : i32
    %add3A_123 = arith.constant 1 : i32
    %add3A_124 = arith.addi %mul3A_122, %add3A_123 : i32
    "tpu.region"() ({
      %run_scoped3A = tpu.sem_alloc : memref<!tpu.dma_semaphore, #tpu.memory_space<semaphore_mem>>
      %dma_start3A = arith.constant 0 : i32
      %dma_start3A_131 = tpu.memref_slice %arg2[%add3A_124, %dma_start3A] : memref<64x2048xi32, #tpu.memory_space<hbm>> -> memref<1x2048xi32, #tpu.memory_space<hbm>>
      %dma_start3A_132 = tpu.memref_squeeze %dma_start3A_131 : memref<1x2048xi32, #tpu.memory_space<hbm>> -> memref<2048xi32, #tpu.memory_space<hbm>>
      %dma_start3A_133 = arith.constant 0 : i32
      %dma_start3A_134 = tpu.memref_slice %arg2[%add3A_124, %dma_start3A_133] : memref<64x2048xi32, #tpu.memory_space<hbm>> -> memref<1x2048xi32, #tpu.memory_space<hbm>>
      %dma_start3A_135 = tpu.memref_squeeze %dma_start3A_134 : memref<1x2048xi32, #tpu.memory_space<hbm>> -> memref<2048xi32, #tpu.memory_space<hbm>>
      tpu.enqueue_dma source(%dma_start3A_135 : memref<2048xi32, #tpu.memory_space<hbm>>) target(%arg4 : memref<2048xi32, #tpu.memory_space<vmem>>) target_semaphore(%run_scoped3A : memref<!tpu.dma_semaphore, #tpu.memory_space<semaphore_mem>>)
      %dma_wait3A = arith.constant 0 : i32
      %dma_wait3A_136 = tpu.memref_slice %arg2[%add3A_124, %dma_wait3A] : memref<64x2048xi32, #tpu.memory_space<hbm>> -> memref<1x2048xi32, #tpu.memory_space<hbm>>
      %dma_wait3A_137 = tpu.memref_squeeze %dma_wait3A_136 : memref<1x2048xi32, #tpu.memory_space<hbm>> -> memref<2048xi32, #tpu.memory_space<hbm>>
      %dma_wait3A_138 = arith.constant 0 : i32
      %dma_wait3A_139 = tpu.memref_slice %arg2[%add3A_124, %dma_wait3A_138] : memref<64x2048xi32, #tpu.memory_space<hbm>> -> memref<1x2048xi32, #tpu.memory_space<hbm>>
      %dma_wait3A_140 = tpu.memref_squeeze %dma_wait3A_139 : memref<1x2048xi32, #tpu.memory_space<hbm>> -> memref<2048xi32, #tpu.memory_space<hbm>>
      tpu.wait_dma2 semaphore(%run_scoped3A : memref<!tpu.dma_semaphore, #tpu.memory_space<semaphore_mem>>) src(%dma_wait3A_140 : memref<2048xi32, #tpu.memory_space<hbm>>) dst(%arg4 : memref<2048xi32, #tpu.memory_space<vmem>>)
      tpu.yield
    }) : () -> ()
    %scan3A_125 = arith.constant 0 : i32
    %scan3A_126 = arith.constant 0 : i32
    %scan3A_127 = arith.constant 128 : i32
    %scan3A_128 = arith.addi %scan3A_126, %scan3A_127 : i32
    %scan3A_129 = arith.constant 4 : i32
    scf.for %scan3A_131 = %scan3A_126 to %scan3A_128 step %scan3A_129  : i32 {
      %mul3A_132 = arith.constant 16 : i32
      %mul3A_133 = arith.muli %scan3A_131, %mul3A_132 : i32
      %get3A = arith.index_cast %mul3A_133 : i32 to index
      %get3A_134 = tpu.vector_load %arg4[%get3A] {strides = array<i32>} : memref<2048xi32, #tpu.memory_space<vmem>>, vector<16xi32>,
      %max3A = arith.maxsi %get3A_134, %broadcast_in_dim3A_5 : vector<16xi32>
      %min3A = arith.minsi %max3A, %broadcast_in_dim3A_7 : vector<16xi32>
      %and3A = arith.andi %min3A, %broadcast_in_dim3A_9 : vector<16xi32>
      %shift_right_logical3A = arith.constant 4 : i32
      %shift_right_logical3A_135 = vector.broadcast %shift_right_logical3A : i32 to vector<16xi32>
      %shift_right_logical3A_136 = arith.shrui %min3A, %shift_right_logical3A_135 : vector<16xi32>
      tpu.vector_store_idx %arg5[%and3A, %shift_right_logical3A_136], %broadcast_in_dim3A_1 {add = true} : memref<16x2048xf32, #tpu.memory_space<vmem>>[vector<16xi32>, vector<16xi32>], vector<16xf32>,
      %scan3A_137 = arith.constant 1 : i32
      %scan3A_138 = arith.addi %scan3A_131, %scan3A_137 : i32
      %mul3A_139 = arith.constant 16 : i32
      %mul3A_140 = arith.muli %scan3A_138, %mul3A_139 : i32
      %get3A_141 = arith.index_cast %mul3A_140 : i32 to index
      %get3A_142 = tpu.vector_load %arg4[%get3A_141] {strides = array<i32>} : memref<2048xi32, #tpu.memory_space<vmem>>, vector<16xi32>,
      %max3A_143 = arith.maxsi %get3A_142, %broadcast_in_dim3A_5 : vector<16xi32>
      %min3A_144 = arith.minsi %max3A_143, %broadcast_in_dim3A_7 : vector<16xi32>
      %and3A_145 = arith.andi %min3A_144, %broadcast_in_dim3A_9 : vector<16xi32>
      %shift_right_logical3A_146 = arith.constant 4 : i32
      %shift_right_logical3A_147 = vector.broadcast %shift_right_logical3A_146 : i32 to vector<16xi32>
      %shift_right_logical3A_148 = arith.shrui %min3A_144, %shift_right_logical3A_147 : vector<16xi32>
      tpu.vector_store_idx %arg5[%and3A_145, %shift_right_logical3A_148], %broadcast_in_dim3A_1 {add = true} : memref<16x2048xf32, #tpu.memory_space<vmem>>[vector<16xi32>, vector<16xi32>], vector<16xf32>,
      %scan3A_149 = arith.constant 2 : i32
      %scan3A_150 = arith.addi %scan3A_131, %scan3A_149 : i32
      %mul3A_151 = arith.constant 16 : i32
      %mul3A_152 = arith.muli %scan3A_150, %mul3A_151 : i32
      %get3A_153 = arith.index_cast %mul3A_152 : i32 to index
      %get3A_154 = tpu.vector_load %arg4[%get3A_153] {strides = array<i32>} : memref<2048xi32, #tpu.memory_space<vmem>>, vector<16xi32>,
      %max3A_155 = arith.maxsi %get3A_154, %broadcast_in_dim3A_5 : vector<16xi32>
      %min3A_156 = arith.minsi %max3A_155, %broadcast_in_dim3A_7 : vector<16xi32>
      %and3A_157 = arith.andi %min3A_156, %broadcast_in_dim3A_9 : vector<16xi32>
      %shift_right_logical3A_158 = arith.constant 4 : i32
      %shift_right_logical3A_159 = vector.broadcast %shift_right_logical3A_158 : i32 to vector<16xi32>
      %shift_right_logical3A_160 = arith.shrui %min3A_156, %shift_right_logical3A_159 : vector<16xi32>
      tpu.vector_store_idx %arg5[%and3A_157, %shift_right_logical3A_160], %broadcast_in_dim3A_1 {add = true} : memref<16x2048xf32, #tpu.memory_space<vmem>>[vector<16xi32>, vector<16xi32>], vector<16xf32>,
      %scan3A_161 = arith.constant 3 : i32
      %scan3A_162 = arith.addi %scan3A_131, %scan3A_161 : i32
      %mul3A_163 = arith.constant 16 : i32
      %mul3A_164 = arith.muli %scan3A_162, %mul3A_163 : i32
      %get3A_165 = arith.index_cast %mul3A_164 : i32 to index
      %get3A_166 = tpu.vector_load %arg4[%get3A_165] {strides = array<i32>} : memref<2048xi32, #tpu.memory_space<vmem>>, vector<16xi32>,
      %max3A_167 = arith.maxsi %get3A_166, %broadcast_in_dim3A_5 : vector<16xi32>
      %min3A_168 = arith.minsi %max3A_167, %broadcast_in_dim3A_7 : vector<16xi32>
      %and3A_169 = arith.andi %min3A_168, %broadcast_in_dim3A_9 : vector<16xi32>
      %shift_right_logical3A_170 = arith.constant 4 : i32
      %shift_right_logical3A_171 = vector.broadcast %shift_right_logical3A_170 : i32 to vector<16xi32>
      %shift_right_logical3A_172 = arith.shrui %min3A_168, %shift_right_logical3A_171 : vector<16xi32>
      tpu.vector_store_idx %arg5[%and3A_169, %shift_right_logical3A_172], %broadcast_in_dim3A_1 {add = true} : memref<16x2048xf32, #tpu.memory_space<vmem>>[vector<16xi32>, vector<16xi32>], vector<16xf32>,
    }
    %scan3A_130 = arith.constant 128 : i32
    "tpu.region"() ({
      %run_scoped3A = tpu.sem_alloc : memref<!tpu.dma_semaphore, #tpu.memory_space<semaphore_mem>>
      %dma_start3A = arith.constant 0 : i32
      %dma_start3A_131 = arith.constant 0 : i32
      %dma_start3A_132 = tpu.memref_slice %arg3[%dma_start3A, %add3A_124, %dma_start3A_131] : memref<16x64x2048xf32, #tpu.memory_space<hbm>> -> memref<16x1x2048xf32, #tpu.memory_space<hbm>>
      %dma_start3A_133 = tpu.memref_squeeze %dma_start3A_132 : memref<16x1x2048xf32, #tpu.memory_space<hbm>> -> memref<16x2048xf32, #tpu.memory_space<hbm>>
      %dma_start3A_134 = arith.constant 0 : i32
      %dma_start3A_135 = arith.constant 0 : i32
      %dma_start3A_136 = tpu.memref_slice %arg3[%dma_start3A_134, %add3A_124, %dma_start3A_135] : memref<16x64x2048xf32, #tpu.memory_space<hbm>> -> memref<16x1x2048xf32, #tpu.memory_space<hbm>>
      %dma_start3A_137 = tpu.memref_squeeze %dma_start3A_136 : memref<16x1x2048xf32, #tpu.memory_space<hbm>> -> memref<16x2048xf32, #tpu.memory_space<hbm>>
      tpu.enqueue_dma source(%arg5 : memref<16x2048xf32, #tpu.memory_space<vmem>>) target(%dma_start3A_137 : memref<16x2048xf32, #tpu.memory_space<hbm>>) target_semaphore(%run_scoped3A : memref<!tpu.dma_semaphore, #tpu.memory_space<semaphore_mem>>)
      %dma_wait3A = arith.constant 0 : i32
      %dma_wait3A_138 = arith.constant 0 : i32
      %dma_wait3A_139 = tpu.memref_slice %arg3[%dma_wait3A, %add3A_124, %dma_wait3A_138] : memref<16x64x2048xf32, #tpu.memory_space<hbm>> -> memref<16x1x2048xf32, #tpu.memory_space<hbm>>
      %dma_wait3A_140 = tpu.memref_squeeze %dma_wait3A_139 : memref<16x1x2048xf32, #tpu.memory_space<hbm>> -> memref<16x2048xf32, #tpu.memory_space<hbm>>
      %dma_wait3A_141 = arith.constant 0 : i32
      %dma_wait3A_142 = arith.constant 0 : i32
      %dma_wait3A_143 = tpu.memref_slice %arg3[%dma_wait3A_141, %add3A_124, %dma_wait3A_142] : memref<16x64x2048xf32, #tpu.memory_space<hbm>> -> memref<16x1x2048xf32, #tpu.memory_space<hbm>>
      %dma_wait3A_144 = tpu.memref_squeeze %dma_wait3A_143 : memref<16x1x2048xf32, #tpu.memory_space<hbm>> -> memref<16x2048xf32, #tpu.memory_space<hbm>>
      tpu.wait_dma2 semaphore(%run_scoped3A : memref<!tpu.dma_semaphore, #tpu.memory_space<semaphore_mem>>) src(%arg5 : memref<16x2048xf32, #tpu.memory_space<vmem>>) dst(%dma_wait3A_144 : memref<16x2048xf32, #tpu.memory_space<hbm>>)
      tpu.yield
    }) : () -> ()
    return
  }
}

module attributes {stable_mosaic.version = 14 : i64} {
  func.func @_flash_body(%arg0: i32, %arg1: memref<1024x576xbf16, #tpu.memory_space<vmem>>, %arg2: memref<576x2048xbf16, #tpu.memory_space<vmem>>, %arg3: memref<1x64x2048xf32, #tpu.memory_space<vmem>>, %arg4: memref<1024x512xbf16, #tpu.memory_space<vmem>>, %arg5: memref<1024x512xf32, #tpu.memory_space<vmem>>, %arg6: memref<1024x1xf32, #tpu.memory_space<vmem>>) attributes {dimension_semantics = [#tpu.dimension_semantics<arbitrary>], iteration_bounds = array<i64: 16>, scalar_prefetch = 0 : i64, scratch_operands = 2 : i64, tpu.core_type = #tpu.core_type<tc>, window_params = [{pipeline_mode = #tpu.pipeline_mode<synchronous>, transform_indices = @transform_0, window_bounds = array<i64: 1024, 576>}, {transform_indices = @transform_1, window_bounds = array<i64: 576, 2048>}, {transform_indices = @transform_2, window_bounds = array<i64: 1, 64, 2048>}, {pipeline_mode = #tpu.pipeline_mode<synchronous>, transform_indices = @transform_3, window_bounds = array<i64: 1024, 512>}]} {
    %eq3A = arith.constant 0 : i32
    %eq3A_0 = arith.cmpi eq, %arg0, %eq3A : i32
    %convert_element_type3A = arith.extui %eq3A_0 : i1 to i32
    %cond3A = arith.constant 0 : i32
    %cond3A_1 = arith.cmpi ne, %convert_element_type3A, %cond3A : i32
    scf.if %cond3A_1 {
      %broadcast_in_dim3A_37 = arith.constant 0.000000e+00 : f32
      %broadcast_in_dim3A_38 = vector.broadcast %broadcast_in_dim3A_37 : f32 to vector<1024x1xf32>
      %swap3A_39 = arith.constant 0 : index
      %swap3A_40 = arith.constant 0 : index
      %swap3A_41 = vector.load %arg6[%swap3A_39, %swap3A_40] : memref<1024x1xf32, #tpu.memory_space<vmem>>, vector<1024x1xf32>
      tpu.vector_store %arg6[%swap3A_39, %swap3A_40], %broadcast_in_dim3A_38 {strides = array<i32>} : memref<1024x1xf32, #tpu.memory_space<vmem>>, vector<1024x1xf32>,
      %broadcast_in_dim3A_42 = arith.constant 0.000000e+00 : f32
      %broadcast_in_dim3A_43 = vector.broadcast %broadcast_in_dim3A_42 : f32 to vector<1024x512xf32>
      %swap3A_44 = arith.constant 0 : index
      %swap3A_45 = arith.constant 0 : index
      %swap3A_46 = vector.load %arg5[%swap3A_44, %swap3A_45] : memref<1024x512xf32, #tpu.memory_space<vmem>>, vector<1024x512xf32>
      tpu.vector_store %arg5[%swap3A_44, %swap3A_45], %broadcast_in_dim3A_43 {strides = array<i32>} : memref<1024x512xf32, #tpu.memory_space<vmem>>, vector<1024x512xf32>,
    } else {
    }
    %get3A = arith.constant 0 : index
    %get3A_2 = arith.constant 0 : index
    %get3A_3 = vector.load %arg1[%get3A, %get3A_2] : memref<1024x576xbf16, #tpu.memory_space<vmem>>, vector<1024x576xbf16>
    %get3A_4 = arith.constant 0 : index
    %get3A_5 = arith.constant 0 : index
    %get3A_6 = vector.load %arg2[%get3A_4, %get3A_5] : memref<576x2048xbf16, #tpu.memory_space<vmem>>, vector<576x2048xbf16>
    %dot_general3A = arith.constant dense<0.000000e+00> : vector<1024x2048xf32>
    %dot_general3A_7 = tpu.matmul %get3A_3, %get3A_6, %dot_general3A {dimension_numbers = #tpu.dot_dimension_numbers<[1], [0], [0], [1], [0, 0, 1, 1], [], []>, transpose_lhs_hint = false} : vector<1024x576xbf16>, vector<576x2048xbf16>, vector<1024x2048xf32> -> vector<1024x2048xf32>
    %get3A_8 = arith.constant 0 : index
    %get3A_9 = arith.constant 0 : index
    %get3A_10 = arith.constant 0 : index
    %get3A_11 = vector.load %arg3[%get3A_8, %get3A_9, %get3A_10] : memref<1x64x2048xf32, #tpu.memory_space<vmem>>, vector<1x64x2048xf32>
    %get3A_12 = vector.shape_cast %get3A_11 : vector<1x64x2048xf32> to vector<64x2048xf32>
    %broadcast_in_dim3A = vector.shape_cast %get3A_12 : vector<64x2048xf32> to vector<64x1x2048xf32>
    %broadcast_in_dim3A_13 = vector.shape_cast %broadcast_in_dim3A : vector<64x1x2048xf32> to vector<64x1x2048xf32>
    %broadcast_in_dim3A_14 = vector.broadcast %broadcast_in_dim3A_13 : vector<64x1x2048xf32> to vector<64x16x2048xf32>
    %exp23A = math.exp2 %dot_general3A_7 : vector<1024x2048xf32>
    %reshape3A = vector.shape_cast %broadcast_in_dim3A_14 : vector<64x16x2048xf32> to vector<1024x2048xf32>
    %mul3A = arith.mulf %exp23A, %reshape3A : vector<1024x2048xf32>
    %reduce_sum3A = arith.constant dense<0.000000e+00> : vector<1024xf32>
    %reduce_sum3A_15 = vector.multi_reduction <add>, %mul3A, %reduce_sum3A [1] : vector<1024x2048xf32> to vector<1024xf32>
    %broadcast_in_dim3A_16 = vector.shape_cast %reduce_sum3A_15 : vector<1024xf32> to vector<1024x1xf32>
    %convert_element_type3A_17 = arith.truncf %mul3A : vector<1024x2048xf32> to vector<1024x2048xbf16>
    %slice3A = vector.extract_strided_slice %get3A_6 {offsets = [0, 0], sizes = [512, 2048], strides = [1, 1]} : vector<576x2048xbf16> to vector<512x2048xbf16>
    %dot_general3A_18 = arith.constant dense<0.000000e+00> : vector<1024x512xf32>
    %dot_general3A_19 = tpu.matmul %convert_element_type3A_17, %slice3A, %dot_general3A_18 {dimension_numbers = #tpu.dot_dimension_numbers<[1], [1], [0], [0], [0, 0, 1, 0], [], []>, transpose_lhs_hint = false} : vector<1024x2048xbf16>, vector<512x2048xbf16>, vector<1024x512xf32> -> vector<1024x512xf32>
    %get3A_20 = arith.constant 0 : index
    %get3A_21 = arith.constant 0 : index
    %get3A_22 = vector.load %arg6[%get3A_20, %get3A_21] : memref<1024x1xf32, #tpu.memory_space<vmem>>, vector<1024x1xf32>
    %add3A = arith.addf %get3A_22, %broadcast_in_dim3A_16 : vector<1024x1xf32>
    %swap3A = arith.constant 0 : index
    %swap3A_23 = arith.constant 0 : index
    %swap3A_24 = vector.load %arg6[%swap3A, %swap3A_23] : memref<1024x1xf32, #tpu.memory_space<vmem>>, vector<1024x1xf32>
    tpu.vector_store %arg6[%swap3A, %swap3A_23], %add3A {strides = array<i32>} : memref<1024x1xf32, #tpu.memory_space<vmem>>, vector<1024x1xf32>,
    %get3A_25 = arith.constant 0 : index
    %get3A_26 = arith.constant 0 : index
    %get3A_27 = vector.load %arg5[%get3A_25, %get3A_26] : memref<1024x512xf32, #tpu.memory_space<vmem>>, vector<1024x512xf32>
    %add3A_28 = arith.addf %get3A_27, %dot_general3A_19 : vector<1024x512xf32>
    %swap3A_29 = arith.constant 0 : index
    %swap3A_30 = arith.constant 0 : index
    %swap3A_31 = vector.load %arg5[%swap3A_29, %swap3A_30] : memref<1024x512xf32, #tpu.memory_space<vmem>>, vector<1024x512xf32>
    tpu.vector_store %arg5[%swap3A_29, %swap3A_30], %add3A_28 {strides = array<i32>} : memref<1024x512xf32, #tpu.memory_space<vmem>>, vector<1024x512xf32>,
    %eq3A_32 = arith.constant 15 : i32
    %eq3A_33 = arith.cmpi eq, %arg0, %eq3A_32 : i32
    %convert_element_type3A_34 = arith.extui %eq3A_33 : i1 to i32
    %cond3A_35 = arith.constant 0 : i32
    %cond3A_36 = arith.cmpi ne, %convert_element_type3A_34, %cond3A_35 : i32
    scf.if %cond3A_36 {
      %get3A_37 = arith.constant 0 : index
      %get3A_38 = arith.constant 0 : index
      %get3A_39 = vector.load %arg5[%get3A_37, %get3A_38] : memref<1024x512xf32, #tpu.memory_space<vmem>>, vector<1024x512xf32>
      %get3A_40 = arith.constant 0 : index
      %get3A_41 = arith.constant 0 : index
      %get3A_42 = vector.load %arg6[%get3A_40, %get3A_41] : memref<1024x1xf32, #tpu.memory_space<vmem>>, vector<1024x1xf32>
      %div3A = vector.broadcast %get3A_42 : vector<1024x1xf32> to vector<1024x512xf32>
      %div3A_43 = arith.divf %get3A_39, %div3A : vector<1024x512xf32>
      %convert_element_type3A_44 = arith.truncf %div3A_43 : vector<1024x512xf32> to vector<1024x512xbf16>
      %swap3A_45 = arith.constant 0 : index
      %swap3A_46 = arith.constant 0 : index
      %swap3A_47 = vector.load %arg4[%swap3A_45, %swap3A_46] : memref<1024x512xbf16, #tpu.memory_space<vmem>>, vector<1024x512xbf16>
      tpu.vector_store %arg4[%swap3A_45, %swap3A_46], %convert_element_type3A_44 {strides = array<i32>} : memref<1024x512xbf16, #tpu.memory_space<vmem>>, vector<1024x512xbf16>,
    } else {
    }
    return
  }
  func.func @transform_0(%arg0: i32) -> (i32, i32) {
    %c0_i32 = arith.constant 0 : i32
    %c0_i32_0 = arith.constant 0 : i32
    %c0_i32_1 = arith.constant 0 : i32
    return %c0_i32, %c0_i32_0 : i32, i32
  }
  func.func @transform_1(%arg0: i32) -> (i32, i32) {
    %c0_i32 = arith.constant 0 : i32
    %c0_i32_0 = arith.constant 0 : i32
    return %arg0, %c0_i32 : i32, i32
  }
  func.func @transform_2(%arg0: i32) -> (i32, i32, i32) {
    %c0_i32 = arith.constant 0 : i32
    %c0_i32_0 = arith.constant 0 : i32
    %c0_i32_1 = arith.constant 0 : i32
    return %arg0, %c0_i32, %c0_i32_0 : i32, i32, i32
  }
  func.func @transform_3(%arg0: i32) -> (i32, i32) {
    %c0_i32 = arith.constant 0 : i32
    %c0_i32_0 = arith.constant 0 : i32
    %c0_i32_1 = arith.constant 0 : i32
    return %c0_i32, %c0_i32_0 : i32, i32
  }
}

</mosaic_0001>

<sc_bundles>
// kernel: kernel.4.cloned.1.call-start
scs
__scs_entry_jumppad:
0x0: {  	(pc) =	sbr.rel $0x88, $3  }
0x1: {  	(tag) =	ssettag $0x0;
	lr =	simm.s32 $0x1  }
0x2: {  	[smem:$0x3F9E] =	sst lr;
	_ =	strace $0xD0000000  }
0x3: {  	_ = 	snop  }
0x4: {  	_ = 	snop  }
0x5: {  	_ = 	snop  }
0x6: {  	_ = 	snop  }
0x7: {  	_ = 	snop  }
__scs_overlays_trampoline_lowered:
0x8: {  	[smem:$0x3FAD] =	sst s0  }
0x9: {  	[smem:$0x3FAE] =	sst s1  }
0xa: {  	[smem:$0x3FAF] =	sst s2  }
0xb: {  	[smem:$0x3FB0] =	sst s3  }
0xc: {  	[smem:$0x3FB1] =	sst s4  }
0xd: {  	[smem:$0x3FB2] =	sst s5  }
0xe: {  	[smem:$0x3FB3] =	sst s6  }
0xf: {  	[smem:$0x3FB4] =	sst s7  }
0x10: {  	[smem:$0x3FB5] =	sst s8  }
0x11: {  	[smem:$0x3FB6] =	sst s9;
	s0 =	simm.s32 @!p0 $0x0  }
0x12: {  	s1 =	sld [smem:$0x3F9C];
	s0 =	simm.s32 @p0 $0x1  }
0x13: {  	[smem:$0x3FB7] =	sst s0;
	s0 =	simm.s32 @!p1 $0x0  }
0x14: {  	s2 =	sld [smem:$0x3F9B];
	s0 =	simm.s32 @p1 $0x1  }
0x15: {  	[smem:$0x3FB8] =	sst s0;
	s0 =	simm.s32 @!p2 $0x0  }
0x16: {  	s3 =	sld [smem:$0x3FDB];
	s0 =	simm.s32 @p2 $0x1  }
0x17: {  	s4 =	simm.s32 $0x1BF5;
	[smem:$0x3FBA] =	sst s0  }
0x18: {  	s0 =	sld [smem:$0x3F9D];
	_ =	swait.ge [sflag:s4], $0x0  }
0x19: {  	s7 =	sld [smem:$0x3F9E]  }
0x1a: {  	s8 =	sadd.s32 $0xFFFFE003, lr  }
0x1b: {  	s9 =	sadd.s32 $0xFFFFFEF7, lr;
	s5 =	simm.s32 $0xFFFFFFFF;
	p2 =	slt.u32 s8, $0xFFFFF086  }
0x1c: {  	p1 =	slt.u32 s9, $0xF7A;
	s5 =	simm.s32 @!p2 $0x0  }
0x1d: {  	s5 =	simm.s32 @p1 $0x1;
	p0 =	seq.s32 s7, s2  }
0x1e: {  	s7 =	smul.u32 @!p0 $0xF7A, s2;
	p2 =	seq.s32 @!p0 s5, $0x0  }
0x1f: {  	s9 =	smul.u32 $0xF7A, s1;
	s8 =	simm.s32 @!p0 $0x1BF5;
	p2 =	por !p2, p0  }
0x20: {  	[sflag:s8] =	ssyncset.s32 @!p0 $0xFFFFF086;
	s6 =	sadd.s32 @!p0 s3, s7;
	s7 =	simm.s32 @!p0 $0x108  }
0x21: {  	s3 =	sadd.s32 s3, s9;
	s6 =	sadd.s32 @!p0 $0x88, s6;
	s7 =	simm.s32 @p2 $0x1082  }
0x22: {  	[simem:s7], [sflag:s8] =	dma.local @!p0 [hbm:s6], $0xF7A  }
0x23: {  	s9 =	sor.u32 $0xD0000000, s2;
	s6 =	simm.s32 $0x108;
	_ =	swait.ge @!p0 [sflag:s8], $0x0  }
0x24: {  	s3 =	sadd.s32 $0x88, s3;
	s6 =	simm.s32 @!p1 $0x1082;
	[sflag:s4] =	ssyncset.s32 $0xFFFFF086  }
0x25: {  	[simem:s6], [sflag:s4] =	dma.local [hbm:s3], $0xF7A  }
0x26: {  	[smem:$0x3F9E] =	sst s1;
	(tag) =	ssettag s2;
	_ =	strace s9  }
0x27: {  	s1 =	sld [smem:$0x3FAE]  }
0x28: {  	s2 =	sld [smem:$0x3FAF]  }
0x29: {  	s4 =	sld [smem:$0x3FB1]  }
0x2a: {  	p0 =	seq.s32 s5, $0x0;
	s5 =	sld [smem:$0x3FB2]  }
0x2b: {  	s6 =	sld [smem:$0x3FB3]  }
0x2c: {  	s7 =	sld [smem:$0x3FB4]  }
0x2d: {  	s3 =	simm.s32 $0x108;
	s8 =	sld [smem:$0x3FB5]  }
0x2e: {  	s3 =	simm.s32 @!p0 $0x1082;
	s9 =	sld [smem:$0x3FB6]  }
0x2f: {  	lr =	sadd.s32 s0, s3;
	s0 =	sld [smem:$0x3FAD]  }
0x30: {  	s3 =	sld [smem:$0x3FB0]  }
0x31: {  	[smem:$0x3FB9] =	sst s10  }
0x32: {  	s10 =	sld [smem:$0x3FB7];
	_ =	sdelay $0x3  }
0x33: {  	p0 =	seq.s32 s10, $0x1;
	s10 =	sld [smem:$0x3FB9];
	_ =	sdelay $0x3  }
0x34: {  	[smem:$0x3FB9] =	sst s10  }
0x35: {  	s10 =	sld [smem:$0x3FB8];
	_ =	sdelay $0x3  }
0x36: {  	p1 =	seq.s32 s10, $0x1;
	s10 =	sld [smem:$0x3FB9];
	_ =	sdelay $0x3  }
0x37: {  	[smem:$0x3FB9] =	sst s10  }
0x38: {  	s10 =	sld [smem:$0x3FBA]  }
0x39: {  	_ = 	snop;
	(pc) =	sbr.ind lr, $3  }
0x3a: {  	_ = 	snop  }
0x3b: {  	_ = 	snop  }
0x3c: {  	p2 =	seq.s32 s10, $0x1;
	s10 =	sld [smem:$0x3FB9]  }
0x3d: {  	_ =	shalt  }
0x3e: {  	_ =	shalt  }
0x3f: {  	_ =	shalt  }
0x40: {  	_ =	shalt  }
0x41: {  	_ =	shalt  }
0x42: {  	_ =	shalt  }
0x43: {  	_ =	shalt  }
0x44: {  	_ =	shalt  }
0x45: {  	_ =	shalt  }
0x46: {  	_ =	shalt  }
0x47: {  	_ =	shalt  }
0x48: {  	_ =	shalt  }
0x49: {  	_ =	shalt  }
0x4a: {  	_ =	shalt  }
0x4b: {  	_ =	shalt  }
0x4c: {  	_ =	shalt  }
0x4d: {  	_ =	shalt  }
0x4e: {  	_ =	shalt  }
0x4f: {  	_ =	shalt  }
0x50: {  	_ =	shalt  }
0x51: {  	_ =	shalt  }
0x52: {  	_ =	shalt  }
0x53: {  	_ =	shalt  }
0x54: {  	_ =	shalt  }
0x55: {  	_ =	shalt  }
0x56: {  	_ =	shalt  }
0x57: {  	_ =	shalt  }
0x58: {  	_ =	shalt  }
0x59: {  	_ =	shalt  }
0x5a: {  	_ =	shalt  }
0x5b: {  	_ =	shalt  }
0x5c: {  	_ =	shalt  }
0x5d: {  	_ =	shalt  }
0x5e: {  	_ =	shalt  }
0x5f: {  	_ =	shalt  }
0x60: {  	_ =	shalt  }
0x61: {  	_ =	shalt  }
0x62: {  	_ =	shalt  }
0x63: {  	_ =	shalt  }
0x64: {  	_ =	shalt  }
0x65: {  	_ =	shalt  }
0x66: {  	_ =	shalt  }
0x67: {  	_ =	shalt  }
0x68: {  	_ =	shalt  }
0x69: {  	_ =	shalt  }
0x6a: {  	_ =	shalt  }
0x6b: {  	_ =	shalt  }
0x6c: {  	_ =	shalt  }
0x6d: {  	_ =	shalt  }
0x6e: {  	_ =	shalt  }
0x6f: {  	_ =	shalt  }
0x70: {  	_ =	shalt  }
0x71: {  	_ =	shalt  }
0x72: {  	_ =	shalt  }
0x73: {  	_ =	shalt  }
0x74: {  	_ =	shalt  }
0x75: {  	_ =	shalt  }
0x76: {  	_ =	shalt  }
0x77: {  	_ =	shalt  }
0x78: {  	_ =	shalt  }
0x79: {  	_ =	shalt  }
0x7a: {  	_ =	shalt  }
0x7b: {  	_ =	shalt  }
0x7c: {  	_ =	shalt  }
0x7d: {  	_ =	shalt  }
0x7e: {  	_ =	shalt  }
0x7f: {  	_ =	shalt  }
0x80: {  	_ =	shalt  }
0x81: {  	_ =	shalt  }
0x82: {  	_ =	shalt  }
0x83: {  	_ =	shalt  }
0x84: {  	_ =	shalt  }
0x85: {  	_ =	shalt  }
0x86: {  	_ =	shalt  }
0x87: {  	_ =	shalt  }
.Lfunc_end0:
.L_simem_size_0:
called_computation_lowered:
.L_overlay_start_0:
0x88: {  	s2 =	sld [smem:$0x3FD9]  }
0x89: {  	s3 =	sld [smem:$0x3FFE];
	_ =	sdelay $0x1  }
0x8a: {  	s1 =	srdreg.scid  }
0x8b: {  	s0 =	sand.u32 $0x1, s1  }
0x8c: {  	s17 =	sshll.u32 s0, $0xA;
	s2 =	sadd.s32 s3, s2  }
0x8d: {  	s2 =	sadd.s32 s2, s17  }
0x8e: {  	[smem:$0x3FC5] =	sst s2  }
0x8f: {  	_ = 	snop  }
0x90: {  	s2 =	sld [smem:$0x3FD0];
	(tm) =	ssettm $0x1  }
0x91: {  	s18 =	sld [smem:$0x3FFB];
	_ =	sdelay $0x3  }
0x92: {  	_ =	strace s18  }
0x93: {  	s3 =	sld [smem:$0x3FFC];
	_ =	sdelay $0x3  }
0x94: {  	_ =	strace s3  }
0x95: {  	s3 =	sld [smem:$0x3FFD];
	_ =	sdelay $0x3  }
0x96: {  	_ =	strace s3  }
0x97: {  	_ =	strace $0x8FFFFFFF  }
0x98: {  	s19 =	sld [smem:$0x3FDB];
	_ =	sdelay $0x1  }
0x99: {  	s4 =	simm.s32 $_scs_section_size  }
0x9a: {  	s5 =	simm.s32 $_size__tile_overlayer_lowered;
	s6 =	simm.s32 $_tile_overlayer_lowered  }
0x9b: {  	s22 =	simm.s32 $0x1BFF;
	s21 =	sshll.u32 s6, $0x1;
	s3 =	sadd.s32 s4, s19  }
0x9c: {  	s7 =	simm.s32 $0x0;
	s20 =	sshll.u32 s5, $0x1;
	s5 =	sadd.s32 s21, s3  }
0x9d: {  	[timem:s7], [sflag:s22] =	dma.local [hbm:s5], s20  }
0x9e: {  	_ =	swait.ge [sflag:s22], s20  }
0x9f: {  	s4 =	ssub.s32 $0x0, s20;
	[sflag:s22] =	ssyncset.done $0x0  }
0xa0: {  	[sflag:s22] =	ssyncadd.s32 s4;
	_ =	sdelay $0x1  }
0xa1: {  	s23 =	simm.s32 $0x1B8B  }
0xa2: {  	_ =	swait.ge [sflag:s23], $0x1  }
0xa3: {  	[sflag:s23] =	ssyncset.done $0x0  }
0xa4: {  	s25 =	simm.s32 $0x1B8E;
	s24 =	sld [smem:$0x3FFE];
	[sflag:s23] =	ssyncadd.s32 $0xFFFFFFFF  }
0xa5: {  	s26 =	simm.s32 $execute0_lowered;
	[smem:$0x3FD2] =	sst s25  }
0xa6: {  	s5 =	sshll.u32 s26, $0x1;
	_ =	strace $0x80000046;
	[dreg:$0x1] =	wrdreg $0xFFFFFFFF  }
0xa7: {  	s28 =	simm.s32 $_size_execute0_lowered;
	s3 =	sadd.s32 s3, s5;
	[dreg:$0x0] =	wrdreg $0x0  }
0xa8: {  	s5 =	sshll.u32 s28, $0x1;
	[dreg:$0x2] =	wrdreg s3  }
0xa9: {  	[dreg:$0x3] =	wrdreg s5  }
0xaa: {  	[dreg:$0x4] =	wrdreg $0xC0  }
0xab: {  	_ =	task [dreg:s7], $0x5FFFF  }
0xac: {  	[dreg:$0x1] =	wrdreg $0xFFFFFFFF  }
0xad: {  	[dreg:$0x0] =	wrdreg $0x60  }
0xae: {  	[dreg:$0x2] =	wrdreg s2  }
0xaf: {  	[dreg:$0x3] =	wrdreg s24  }
0xb0: {  	[dreg:$0x4] =	wrdreg $0x9  }
0xb1: {  	_ =	task.clear_ibuf [dreg:s7], $0x5FFFF;
	_ =	strace $0x90000046  }
0xb2: {  	s29 =	simm.s32 $0x9;
	_ =	strace $0x80000048  }
0xb3: {  	_ =	swait.ge [sflag:s29], $0x1  }
0xb4: {  	[sflag:s29] =	ssyncadd.s32 $0xFFFFFFFF  }
0xb5: {  	_ =	strace $0x90000048  }
0xb6: {  	_ =	sfence  }
0xb7: {  	s30 =	sld [smem:$0x0];
	_ =	sdelay $0x2  }
0xb8: {  	s31 =	sshll.u32 s1, $0xD;
	s1 =	sshrl.u32 s1, $0x2  }
0xb9: {  	s3 =	sand.u32 $0x4000, s31;
	s1 =	sadd.s32 s1, s30  }
0xba: {  	s0 =	sor.u32 s3, s0;
	s1 =	sshll.u32 s1, $0x11  }
0xbb: {  	s0 =	sor.u32 s1, s0  }
0xbc: {  	s0 =	sadd.s32 $0x8F2B, s0  }
0xbd: {  	[sflag:s0] =	ssyncadd.remote.s32 $0x1  }
0xbe: {  	_ =	sfence.sel $0xFFFF  }
0xbf: {  	[dreg:$0x0] =	wrdreg $0xFFFFFFFF;
	(pc) =	sbr.abs _section_cstart, $3  }
0xc0: {  	[dreg:$0x1] =	wrdreg $0xFFFFFFFF  }
0xc1: {  	_ =	task.clear_ibuf [dreg:s7], $0x2FFFF;
	_ =	strace $0x9FFFFFFF  }
0xc2: {  	(tm) =	ssettm $0x7FFFFFFF  }
0xc3: {  	_ =	shalt  }
tec
execute0_lowered:
.L_overlay_start_1:
0x0: {  	(tag) =	ssettag $0x1  }
0x1: {  	s5 =	rddreg [dreg:$0x0]  }
0x2: {  	s3 =	rddreg [dreg:$0x1]  }
0x3: {  	s0 =	rddreg [dreg:$0x2];
	s2 =	simm.s32 $0x0;
	s4 =	srdreg.scid  }
0x4: {  	s1 =	stileid.u32;
	s10 =	simm.s32 $0x1;
	s11 =	simm.s32 $0x800  }
0x5: {  	s12 =	simm.s32 $0x20000;
	s13 =	simm.s32 $0x0;
	[smem:$0x7FF] =	sst s2  }
0x6: {  	s4 =	sand.u32 $0x1, s4;
	s7 =	sshll.u32 s1, $0x6;
	s8 =	sshll.u32 s1, $0xA  }
0x7: {  	s6 =	ssub.s32 $0x2, s4;
	s4 =	sshll.u32 s4, $0x5;
	s7 =	sand.u32 $0x40, s7  }
0x8: {  	s30 =	sadd.s32 $0x800, s3;
	s8 =	sand.u32 $0x3800, s8;
	s4 =	sor.u32 s4, s7  }
0x9: {  	_ =	strace $0x80000047;
	s9 =	sshrl.u32 s6, $0x1;
	s31 =	sor.u32 s8, s4  }
0xa: {  	s9 =	ssub.s32 s6, s9;
	s8 =	simm.s32 $0x80;
	s3 =	sadd.s32 s5, s31  }
0xb: {  	s4 =	sadd.s32 s30, s31;
	s6 =	sor.u32 $0x10, s31;
	s7 =	smax.u32 s9, $0x1  }
0xc: {  	v0 =	vimm.f32 $0.0e+00;
	v1 =	vimm.f32 $1.000000000e+00;
	s9 =	simm.s32 $0x400;
	s5 =	sadd.s32 s5, s6;
	s6 =	sadd.s32 s30, s6  }
.LBB2_1:
0xd: {  	s14 =	simm.s32 $0x840  }
0xe: {  	[tilespmem:s14+$0xFFFFFFC0] =	vst v0  }
0xf: {  	[tilespmem:s14+$0x30] =	vst v0  }
0x10: {  	[tilespmem:s14+$0x20] =	vst v0  }
0x11: {  	[tilespmem:s14+$0x10] =	vst v0  }
0x12: {  	[tilespmem:s14+$0x0] =	vst v0  }
0x13: {  	[tilespmem:s14+$0xFFFFFFF0] =	vst v0  }
0x14: {  	s16 =	simm.s32 $0x0;
	[tilespmem:s14+$0xFFFFFFE0] =	vst v0  }
.LBB2_2:
0x15: {  	s16 =	sadd.s32 $0x8, s16;
	[tilespmem:s14+$0xFFFFFFD0] =	vst v0;
	s14 =	sadd.s32 $0x400, s14;
	s15 =	simm.s32 $0x8F0  }
0x16: {  	[tilespmem:s14+$0xFFFFFFC0] =	vst v0;
	p0 =	slt.u32 s16, $0x78  }
0x17: {  	[tilespmem:s14+$0x30] =	vst v0  }
.Ltmp0:
0x18: {  	[tilespmem:s14+$0x20] =	vst v0;
	(pc) =	sbr.rel @p0 .LBB2_2-.Ltmp0, $4  }
0x19: {  	[tilespmem:s14+$0x10] =	vst v0  }
0x1a: {  	[tilespmem:s14+$0x0] =	vst v0  }
0x1b: {  	[tilespmem:s14+$0xFFFFFFF0] =	vst v0  }
0x1c: {  	[tilespmem:s14+$0xFFFFFFE0] =	vst v0  }
0x1d: {  	[tilespmem:s14+$0xFFFFFFD0] =	vst v0  }
0x1e: {  	[tilespmem:s15+$0xFFFFFF90] =	vst v0  }
0x1f: {  	[tilespmem:s15+$0x0] =	vst v0  }
0x20: {  	[tilespmem:s15+$0xFFFFFFF0] =	vst v0  }
0x21: {  	[tilespmem:s15+$0xFFFFFFE0] =	vst v0  }
0x22: {  	[tilespmem:s15+$0xFFFFFFD0] =	vst v0  }
0x23: {  	[tilespmem:s15+$0xFFFFFFC0] =	vst v0  }
0x24: {  	s16 =	simm.s32 $0x0;
	s14 =	simm.s32 $0x970;
	[tilespmem:s15+$0xFFFFFFB0] =	vst v0  }
.LBB2_4:
0x25: {  	s16 =	sadd.s32 $0x8, s16;
	[tilespmem:s15+$0xFFFFFFA0] =	vst v0;
	s15 =	sadd.s32 $0x400, s15  }
0x26: {  	[tilespmem:s15+$0xFFFFFF90] =	vst v0;
	p0 =	slt.u32 s16, $0x78  }
0x27: {  	[tilespmem:s15+$0x0] =	vst v0  }
.Ltmp1:
0x28: {  	[tilespmem:s15+$0xFFFFFFF0] =	vst v0;
	(pc) =	sbr.rel @p0 .LBB2_4-.Ltmp1, $4  }
0x29: {  	[tilespmem:s15+$0xFFFFFFE0] =	vst v0  }
0x2a: {  	[tilespmem:s15+$0xFFFFFFD0] =	vst v0  }
0x2b: {  	[tilespmem:s15+$0xFFFFFFC0] =	vst v0  }
0x2c: {  	[tilespmem:s15+$0xFFFFFFB0] =	vst v0  }
0x2d: {  	[tilespmem:s15+$0xFFFFFFA0] =	vst v0  }
0x2e: {  	[tilespmem:s14+$0xFFFFFF90] =	vst v0  }
0x2f: {  	[tilespmem:s14+$0x0] =	vst v0  }
0x30: {  	[tilespmem:s14+$0xFFFFFFF0] =	vst v0  }
0x31: {  	[tilespmem:s14+$0xFFFFFFE0] =	vst v0  }
0x32: {  	[tilespmem:s14+$0xFFFFFFD0] =	vst v0  }
0x33: {  	[tilespmem:s14+$0xFFFFFFC0] =	vst v0  }
0x34: {  	s16 =	simm.s32 $0x0;
	[tilespmem:s14+$0xFFFFFFB0] =	vst v0  }
.LBB2_6:
0x35: {  	s16 =	sadd.s32 $0x8, s16;
	[tilespmem:s14+$0xFFFFFFA0] =	vst v0;
	s14 =	sadd.s32 $0x400, s14;
	s15 =	simm.s32 $0x9F0  }
0x36: {  	[tilespmem:s14+$0xFFFFFF90] =	vst v0;
	p0 =	slt.u32 s16, $0x78  }
0x37: {  	[tilespmem:s14+$0x0] =	vst v0  }
.Ltmp2:
0x38: {  	[tilespmem:s14+$0xFFFFFFF0] =	vst v0;
	(pc) =	sbr.rel @p0 .LBB2_6-.Ltmp2, $4  }
0x39: {  	[tilespmem:s14+$0xFFFFFFE0] =	vst v0  }
0x3a: {  	[tilespmem:s14+$0xFFFFFFD0] =	vst v0  }
0x3b: {  	[tilespmem:s14+$0xFFFFFFC0] =	vst v0  }
0x3c: {  	[tilespmem:s14+$0xFFFFFFB0] =	vst v0  }
0x3d: {  	[tilespmem:s14+$0xFFFFFFA0] =	vst v0  }
0x3e: {  	[tilespmem:s15+$0xFFFFFF90] =	vst v0  }
0x3f: {  	[tilespmem:s15+$0x0] =	vst v0  }
0x40: {  	[tilespmem:s15+$0xFFFFFFF0] =	vst v0  }
0x41: {  	[tilespmem:s15+$0xFFFFFFE0] =	vst v0  }
0x42: {  	[tilespmem:s15+$0xFFFFFFD0] =	vst v0  }
0x43: {  	[tilespmem:s15+$0xFFFFFFC0] =	vst v0  }
0x44: {  	s16 =	simm.s32 $0x0;
	s14 =	simm.s32 $0xA70;
	[tilespmem:s15+$0xFFFFFFB0] =	vst v0  }
.LBB2_8:
0x45: {  	s16 =	sadd.s32 $0x8, s16;
	[tilespmem:s15+$0xFFFFFFA0] =	vst v0;
	s15 =	sadd.s32 $0x400, s15  }
0x46: {  	[tilespmem:s15+$0xFFFFFF90] =	vst v0;
	p0 =	slt.u32 s16, $0x78  }
0x47: {  	[tilespmem:s15+$0x0] =	vst v0  }
.Ltmp3:
0x48: {  	[tilespmem:s15+$0xFFFFFFF0] =	vst v0;
	(pc) =	sbr.rel @p0 .LBB2_8-.Ltmp3, $4  }
0x49: {  	[tilespmem:s15+$0xFFFFFFE0] =	vst v0  }
0x4a: {  	[tilespmem:s15+$0xFFFFFFD0] =	vst v0  }
0x4b: {  	[tilespmem:s15+$0xFFFFFFC0] =	vst v0  }
0x4c: {  	[tilespmem:s15+$0xFFFFFFB0] =	vst v0  }
0x4d: {  	[tilespmem:s15+$0xFFFFFFA0] =	vst v0  }
0x4e: {  	[tilespmem:s14+$0xFFFFFF90] =	vst v0  }
0x4f: {  	[tilespmem:s14+$0x0] =	vst v0  }
0x50: {  	[tilespmem:s14+$0xFFFFFFF0] =	vst v0  }
0x51: {  	[tilespmem:s14+$0xFFFFFFE0] =	vst v0  }
0x52: {  	[tilespmem:s14+$0xFFFFFFD0] =	vst v0  }
0x53: {  	[tilespmem:s14+$0xFFFFFFC0] =	vst v0  }
0x54: {  	s16 =	simm.s32 $0x0;
	[tilespmem:s14+$0xFFFFFFB0] =	vst v0  }
.LBB2_10:
0x55: {  	s16 =	sadd.s32 $0x8, s16;
	[tilespmem:s14+$0xFFFFFFA0] =	vst v0;
	s14 =	sadd.s32 $0x400, s14;
	s15 =	simm.s32 $0xAF0  }
0x56: {  	[tilespmem:s14+$0xFFFFFF90] =	vst v0;
	p0 =	slt.u32 s16, $0x78  }
0x57: {  	[tilespmem:s14+$0x0] =	vst v0  }
.Ltmp4:
0x58: {  	[tilespmem:s14+$0xFFFFFFF0] =	vst v0;
	(pc) =	sbr.rel @p0 .LBB2_10-.Ltmp4, $4  }
0x59: {  	[tilespmem:s14+$0xFFFFFFE0] =	vst v0  }
0x5a: {  	[tilespmem:s14+$0xFFFFFFD0] =	vst v0  }
0x5b: {  	[tilespmem:s14+$0xFFFFFFC0] =	vst v0  }
0x5c: {  	[tilespmem:s14+$0xFFFFFFB0] =	vst v0  }
0x5d: {  	[tilespmem:s14+$0xFFFFFFA0] =	vst v0  }
0x5e: {  	[tilespmem:s15+$0xFFFFFF90] =	vst v0  }
0x5f: {  	[tilespmem:s15+$0x0] =	vst v0  }
0x60: {  	[tilespmem:s15+$0xFFFFFFF0] =	vst v0  }
0x61: {  	[tilespmem:s15+$0xFFFFFFE0] =	vst v0  }
0x62: {  	[tilespmem:s15+$0xFFFFFFD0] =	vst v0  }
0x63: {  	[tilespmem:s15+$0xFFFFFFC0] =	vst v0  }
0x64: {  	s16 =	simm.s32 $0x0;
	s14 =	simm.s32 $0xB70;
	[tilespmem:s15+$0xFFFFFFB0] =	vst v0  }
.LBB2_12:
0x65: {  	s16 =	sadd.s32 $0x8, s16;
	[tilespmem:s15+$0xFFFFFFA0] =	vst v0;
	s15 =	sadd.s32 $0x400, s15  }
0x66: {  	[tilespmem:s15+$0xFFFFFF90] =	vst v0;
	p0 =	slt.u32 s16, $0x78  }
0x67: {  	[tilespmem:s15+$0x0] =	vst v0  }
.Ltmp5:
0x68: {  	[tilespmem:s15+$0xFFFFFFF0] =	vst v0;
	(pc) =	sbr.rel @p0 .LBB2_12-.Ltmp5, $4  }
0x69: {  	[tilespmem:s15+$0xFFFFFFE0] =	vst v0  }
0x6a: {  	[tilespmem:s15+$0xFFFFFFD0] =	vst v0  }
0x6b: {  	[tilespmem:s15+$0xFFFFFFC0] =	vst v0  }
0x6c: {  	[tilespmem:s15+$0xFFFFFFB0] =	vst v0  }
0x6d: {  	[tilespmem:s15+$0xFFFFFFA0] =	vst v0  }
0x6e: {  	[tilespmem:s14+$0xFFFFFF90] =	vst v0  }
0x6f: {  	[tilespmem:s14+$0x0] =	vst v0  }
0x70: {  	[tilespmem:s14+$0xFFFFFFF0] =	vst v0  }
0x71: {  	[tilespmem:s14+$0xFFFFFFE0] =	vst v0  }
0x72: {  	[tilespmem:s14+$0xFFFFFFD0] =	vst v0  }
0x73: {  	[tilespmem:s14+$0xFFFFFFC0] =	vst v0  }
0x74: {  	s16 =	simm.s32 $0x0;
	[tilespmem:s14+$0xFFFFFFB0] =	vst v0  }
.LBB2_14:
0x75: {  	s16 =	sadd.s32 $0x8, s16;
	[tilespmem:s14+$0xFFFFFFA0] =	vst v0;
	s14 =	sadd.s32 $0x400, s14;
	s15 =	simm.s32 $0xBF0  }
0x76: {  	[tilespmem:s14+$0xFFFFFF90] =	vst v0;
	p0 =	slt.u32 s16, $0x78  }
0x77: {  	[tilespmem:s14+$0x0] =	vst v0  }
.Ltmp6:
0x78: {  	[tilespmem:s14+$0xFFFFFFF0] =	vst v0;
	(pc) =	sbr.rel @p0 .LBB2_14-.Ltmp6, $4  }
0x79: {  	[tilespmem:s14+$0xFFFFFFE0] =	vst v0  }
0x7a: {  	[tilespmem:s14+$0xFFFFFFD0] =	vst v0  }
0x7b: {  	[tilespmem:s14+$0xFFFFFFC0] =	vst v0  }
0x7c: {  	[tilespmem:s14+$0xFFFFFFB0] =	vst v0  }
0x7d: {  	[tilespmem:s14+$0xFFFFFFA0] =	vst v0  }
0x7e: {  	[tilespmem:s15+$0xFFFFFF90] =	vst v0  }
0x7f: {  	[tilespmem:s15+$0x0] =	vst v0  }
0x80: {  	[tilespmem:s15+$0xFFFFFFF0] =	vst v0  }
0x81: {  	[tilespmem:s15+$0xFFFFFFE0] =	vst v0  }
0x82: {  	[tilespmem:s15+$0xFFFFFFD0] =	vst v0  }
0x83: {  	[tilespmem:s15+$0xFFFFFFC0] =	vst v0  }
0x84: {  	s16 =	simm.s32 $0x0;
	s14 =	simm.s32 $0x4870;
	[tilespmem:s15+$0xFFFFFFB0] =	vst v0  }
.LBB2_16:
0x85: {  	s16 =	sadd.s32 $0x8, s16;
	[tilespmem:s15+$0xFFFFFFA0] =	vst v0;
	s15 =	sadd.s32 $0x400, s15  }
0x86: {  	[tilespmem:s15+$0xFFFFFF90] =	vst v0;
	p0 =	slt.u32 s16, $0x78  }
0x87: {  	[tilespmem:s15+$0x0] =	vst v0  }
.Ltmp7:
0x88: {  	[tilespmem:s15+$0xFFFFFFF0] =	vst v0;
	(pc) =	sbr.rel @p0 .LBB2_16-.Ltmp7, $4  }
0x89: {  	[tilespmem:s15+$0xFFFFFFE0] =	vst v0  }
0x8a: {  	[tilespmem:s15+$0xFFFFFFD0] =	vst v0  }
0x8b: {  	[tilespmem:s15+$0xFFFFFFC0] =	vst v0  }
0x8c: {  	[tilespmem:s15+$0xFFFFFFB0] =	vst v0  }
0x8d: {  	[tilespmem:s15+$0xFFFFFFA0] =	vst v0  }
0x8e: {  	[tilespmem:s14+$0xFFFFFF90] =	vst v0  }
0x8f: {  	[tilespmem:s14+$0x0] =	vst v0  }
0x90: {  	[tilespmem:s14+$0xFFFFFFF0] =	vst v0  }
0x91: {  	[tilespmem:s14+$0xFFFFFFE0] =	vst v0  }
0x92: {  	[tilespmem:s14+$0xFFFFFFD0] =	vst v0  }
0x93: {  	[tilespmem:s14+$0xFFFFFFC0] =	vst v0  }
0x94: {  	s16 =	simm.s32 $0x0;
	[tilespmem:s14+$0xFFFFFFB0] =	vst v0  }
.LBB2_18:
0x95: {  	s16 =	sadd.s32 $0x8, s16;
	[tilespmem:s14+$0xFFFFFFA0] =	vst v0;
	s14 =	sadd.s32 $0x400, s14;
	s15 =	simm.s32 $0x48F0  }
0x96: {  	[tilespmem:s14+$0xFFFFFF90] =	vst v0;
	p0 =	slt.u32 s16, $0x78  }
0x97: {  	[tilespmem:s14+$0x0] =	vst v0  }
.Ltmp8:
0x98: {  	[tilespmem:s14+$0xFFFFFFF0] =	vst v0;
	(pc) =	sbr.rel @p0 .LBB2_18-.Ltmp8, $4  }
0x99: {  	[tilespmem:s14+$0xFFFFFFE0] =	vst v0  }
0x9a: {  	[tilespmem:s14+$0xFFFFFFD0] =	vst v0  }
0x9b: {  	[tilespmem:s14+$0xFFFFFFC0] =	vst v0  }
0x9c: {  	[tilespmem:s14+$0xFFFFFFB0] =	vst v0  }
0x9d: {  	[tilespmem:s14+$0xFFFFFFA0] =	vst v0  }
0x9e: {  	[tilespmem:s15+$0xFFFFFF90] =	vst v0  }
0x9f: {  	[tilespmem:s15+$0x0] =	vst v0  }
0xa0: {  	[tilespmem:s15+$0xFFFFFFF0] =	vst v0  }
0xa1: {  	[tilespmem:s15+$0xFFFFFFE0] =	vst v0  }
0xa2: {  	[tilespmem:s15+$0xFFFFFFD0] =	vst v0  }
0xa3: {  	[tilespmem:s15+$0xFFFFFFC0] =	vst v0  }
0xa4: {  	s16 =	simm.s32 $0x0;
	s14 =	simm.s32 $0x4970;
	[tilespmem:s15+$0xFFFFFFB0] =	vst v0  }
.LBB2_20:
0xa5: {  	s16 =	sadd.s32 $0x8, s16;
	[tilespmem:s15+$0xFFFFFFA0] =	vst v0;
	s15 =	sadd.s32 $0x400, s15  }
0xa6: {  	[tilespmem:s15+$0xFFFFFF90] =	vst v0;
	p0 =	slt.u32 s16, $0x78  }
0xa7: {  	[tilespmem:s15+$0x0] =	vst v0  }
.Ltmp9:
0xa8: {  	[tilespmem:s15+$0xFFFFFFF0] =	vst v0;
	(pc) =	sbr.rel @p0 .LBB2_20-.Ltmp9, $4  }
0xa9: {  	[tilespmem:s15+$0xFFFFFFE0] =	vst v0  }
0xaa: {  	[tilespmem:s15+$0xFFFFFFD0] =	vst v0  }
0xab: {  	[tilespmem:s15+$0xFFFFFFC0] =	vst v0  }
0xac: {  	[tilespmem:s15+$0xFFFFFFB0] =	vst v0  }
0xad: {  	[tilespmem:s15+$0xFFFFFFA0] =	vst v0  }
0xae: {  	[tilespmem:s14+$0xFFFFFF90] =	vst v0  }
0xaf: {  	[tilespmem:s14+$0x0] =	vst v0  }
0xb0: {  	[tilespmem:s14+$0xFFFFFFF0] =	vst v0  }
0xb1: {  	[tilespmem:s14+$0xFFFFFFE0] =	vst v0  }
0xb2: {  	[tilespmem:s14+$0xFFFFFFD0] =	vst v0  }
0xb3: {  	[tilespmem:s14+$0xFFFFFFC0] =	vst v0  }
0xb4: {  	s16 =	simm.s32 $0x0;
	[tilespmem:s14+$0xFFFFFFB0] =	vst v0  }
.LBB2_22:
0xb5: {  	s16 =	sadd.s32 $0x8, s16;
	[tilespmem:s14+$0xFFFFFFA0] =	vst v0;
	s14 =	sadd.s32 $0x400, s14;
	s15 =	simm.s32 $0x49F0  }
0xb6: {  	[tilespmem:s14+$0xFFFFFF90] =	vst v0;
	p0 =	slt.u32 s16, $0x78  }
0xb7: {  	[tilespmem:s14+$0x0] =	vst v0  }
.Ltmp10:
0xb8: {  	[tilespmem:s14+$0xFFFFFFF0] =	vst v0;
	(pc) =	sbr.rel @p0 .LBB2_22-.Ltmp10, $4  }
0xb9: {  	[tilespmem:s14+$0xFFFFFFE0] =	vst v0  }
0xba: {  	[tilespmem:s14+$0xFFFFFFD0] =	vst v0  }
0xbb: {  	[tilespmem:s14+$0xFFFFFFC0] =	vst v0  }
0xbc: {  	[tilespmem:s14+$0xFFFFFFB0] =	vst v0  }
0xbd: {  	[tilespmem:s14+$0xFFFFFFA0] =	vst v0  }
0xbe: {  	[tilespmem:s15+$0xFFFFFF90] =	vst v0  }
0xbf: {  	[tilespmem:s15+$0x0] =	vst v0  }
0xc0: {  	[tilespmem:s15+$0xFFFFFFF0] =	vst v0  }
0xc1: {  	[tilespmem:s15+$0xFFFFFFE0] =	vst v0  }
0xc2: {  	[tilespmem:s15+$0xFFFFFFD0] =	vst v0  }
0xc3: {  	[tilespmem:s15+$0xFFFFFFC0] =	vst v0  }
0xc4: {  	s16 =	simm.s32 $0x0;
	s14 =	simm.s32 $0x4A70;
	[tilespmem:s15+$0xFFFFFFB0] =	vst v0  }
.LBB2_24:
0xc5: {  	s16 =	sadd.s32 $0x8, s16;
	[tilespmem:s15+$0xFFFFFFA0] =	vst v0;
	s15 =	sadd.s32 $0x400, s15  }
0xc6: {  	[tilespmem:s15+$0xFFFFFF90] =	vst v0;
	p0 =	slt.u32 s16, $0x78  }
0xc7: {  	[tilespmem:s15+$0x0] =	vst v0  }
.Ltmp11:
0xc8: {  	[tilespmem:s15+$0xFFFFFFF0] =	vst v0;
	(pc) =	sbr.rel @p0 .LBB2_24-.Ltmp11, $4  }
0xc9: {  	[tilespmem:s15+$0xFFFFFFE0] =	vst v0  }
0xca: {  	[tilespmem:s15+$0xFFFFFFD0] =	vst v0  }
0xcb: {  	[tilespmem:s15+$0xFFFFFFC0] =	vst v0  }
0xcc: {  	[tilespmem:s15+$0xFFFFFFB0] =	vst v0  }
0xcd: {  	[tilespmem:s15+$0xFFFFFFA0] =	vst v0  }
0xce: {  	[tilespmem:s14+$0xFFFFFF90] =	vst v0  }
0xcf: {  	[tilespmem:s14+$0x0] =	vst v0  }
0xd0: {  	[tilespmem:s14+$0xFFFFFFF0] =	vst v0  }
0xd1: {  	[tilespmem:s14+$0xFFFFFFE0] =	vst v0  }
0xd2: {  	[tilespmem:s14+$0xFFFFFFD0] =	vst v0  }
0xd3: {  	[tilespmem:s14+$0xFFFFFFC0] =	vst v0  }
0xd4: {  	s16 =	simm.s32 $0x0;
	[tilespmem:s14+$0xFFFFFFB0] =	vst v0  }
.LBB2_26:
0xd5: {  	s16 =	sadd.s32 $0x8, s16;
	[tilespmem:s14+$0xFFFFFFA0] =	vst v0;
	s14 =	sadd.s32 $0x400, s14;
	s15 =	simm.s32 $0x4AF0  }
0xd6: {  	[tilespmem:s14+$0xFFFFFF90] =	vst v0;
	p0 =	slt.u32 s16, $0x78  }
0xd7: {  	[tilespmem:s14+$0x0] =	vst v0  }
.Ltmp12:
0xd8: {  	[tilespmem:s14+$0xFFFFFFF0] =	vst v0;
	(pc) =	sbr.rel @p0 .LBB2_26-.Ltmp12, $4  }
0xd9: {  	[tilespmem:s14+$0xFFFFFFE0] =	vst v0  }
0xda: {  	[tilespmem:s14+$0xFFFFFFD0] =	vst v0  }
0xdb: {  	[tilespmem:s14+$0xFFFFFFC0] =	vst v0  }
0xdc: {  	[tilespmem:s14+$0xFFFFFFB0] =	vst v0  }
0xdd: {  	[tilespmem:s14+$0xFFFFFFA0] =	vst v0  }
0xde: {  	[tilespmem:s15+$0xFFFFFF90] =	vst v0  }
0xdf: {  	[tilespmem:s15+$0x0] =	vst v0  }
0xe0: {  	[tilespmem:s15+$0xFFFFFFF0] =	vst v0  }
0xe1: {  	[tilespmem:s15+$0xFFFFFFE0] =	vst v0  }
0xe2: {  	[tilespmem:s15+$0xFFFFFFD0] =	vst v0  }
0xe3: {  	[tilespmem:s15+$0xFFFFFFC0] =	vst v0  }
0xe4: {  	s16 =	simm.s32 $0x0;
	s14 =	simm.s32 $0x4B70;
	[tilespmem:s15+$0xFFFFFFB0] =	vst v0  }
.LBB2_28:
0xe5: {  	s16 =	sadd.s32 $0x8, s16;
	[tilespmem:s15+$0xFFFFFFA0] =	vst v0;
	s15 =	sadd.s32 $0x400, s15  }
0xe6: {  	[tilespmem:s15+$0xFFFFFF90] =	vst v0;
	p0 =	slt.u32 s16, $0x78  }
0xe7: {  	[tilespmem:s15+$0x0] =	vst v0  }
.Ltmp13:
0xe8: {  	[tilespmem:s15+$0xFFFFFFF0] =	vst v0;
	(pc) =	sbr.rel @p0 .LBB2_28-.Ltmp13, $4  }
0xe9: {  	[tilespmem:s15+$0xFFFFFFE0] =	vst v0  }
0xea: {  	[tilespmem:s15+$0xFFFFFFD0] =	vst v0  }
0xeb: {  	[tilespmem:s15+$0xFFFFFFC0] =	vst v0  }
0xec: {  	[tilespmem:s15+$0xFFFFFFB0] =	vst v0  }
0xed: {  	[tilespmem:s15+$0xFFFFFFA0] =	vst v0  }
0xee: {  	[tilespmem:s14+$0xFFFFFF90] =	vst v0  }
0xef: {  	[tilespmem:s14+$0x0] =	vst v0  }
0xf0: {  	[tilespmem:s14+$0xFFFFFFF0] =	vst v0  }
0xf1: {  	[tilespmem:s14+$0xFFFFFFE0] =	vst v0  }
0xf2: {  	[tilespmem:s14+$0xFFFFFFD0] =	vst v0  }
0xf3: {  	[tilespmem:s14+$0xFFFFFFC0] =	vst v0  }
0xf4: {  	s16 =	simm.s32 $0x0;
	[tilespmem:s14+$0xFFFFFFB0] =	vst v0  }
.LBB2_30:
0xf5: {  	s16 =	sadd.s32 $0x8, s16;
	[tilespmem:s14+$0xFFFFFFA0] =	vst v0;
	s14 =	sadd.s32 $0x400, s14;
	s15 =	simm.s32 $0x4BF0  }
0xf6: {  	[tilespmem:s14+$0xFFFFFF90] =	vst v0;
	p0 =	slt.u32 s16, $0x78  }
0xf7: {  	[tilespmem:s14+$0x0] =	vst v0  }
.Ltmp14:
0xf8: {  	[tilespmem:s14+$0xFFFFFFF0] =	vst v0;
	(pc) =	sbr.rel @p0 .LBB2_30-.Ltmp14, $4  }
0xf9: {  	[tilespmem:s14+$0xFFFFFFE0] =	vst v0  }
0xfa: {  	[tilespmem:s14+$0xFFFFFFD0] =	vst v0  }
0xfb: {  	[tilespmem:s14+$0xFFFFFFC0] =	vst v0  }
0xfc: {  	[tilespmem:s14+$0xFFFFFFB0] =	vst v0  }
0xfd: {  	[tilespmem:s14+$0xFFFFFFA0] =	vst v0  }
0xfe: {  	[tilespmem:s15+$0xFFFFFF90] =	vst v0  }
0xff: {  	[tilespmem:s15+$0x0] =	vst v0  }
0x100: {  	[tilespmem:s15+$0xFFFFFFF0] =	vst v0  }
0x101: {  	[tilespmem:s15+$0xFFFFFFE0] =	vst v0  }
0x102: {  	[tilespmem:s15+$0xFFFFFFD0] =	vst v0  }
0x103: {  	[tilespmem:s15+$0xFFFFFFC0] =	vst v0  }
0x104: {  	s14 =	simm.s32 $0x0;
	[tilespmem:s15+$0xFFFFFFB0] =	vst v0  }
.LBB2_32:
0x105: {  	s14 =	sadd.s32 $0x8, s14;
	[tilespmem:s15+$0xFFFFFFA0] =	vst v0;
	s15 =	sadd.s32 $0x400, s15  }
0x106: {  	[tilespmem:s15+$0xFFFFFF90] =	vst v0;
	p0 =	slt.u32 s14, $0x78  }
0x107: {  	[tilespmem:s15+$0x0] =	vst v0  }
.Ltmp15:
0x108: {  	[tilespmem:s15+$0xFFFFFFF0] =	vst v0;
	(pc) =	sbr.rel @p0 .LBB2_32-.Ltmp15, $4  }
0x109: {  	[tilespmem:s15+$0xFFFFFFE0] =	vst v0  }
0x10a: {  	[tilespmem:s15+$0xFFFFFFD0] =	vst v0  }
0x10b: {  	[tilespmem:s15+$0xFFFFFFC0] =	vst v0  }
0x10c: {  	[tilespmem:s15+$0xFFFFFFB0] =	vst v0  }
0x10d: {  	[tilespmem:s15+$0xFFFFFFA0] =	vst v0  }
0x10e: {  	[tilespmem:s2], [sflag:$0x1] =	stream.strided.gather [hbm4b:s3+s8], $0x800, s9, s8, $0x38;
	[tilespmem:$0x8800] =	vst v63  }
0x10f: {  	_ =	swait.ge [sflag:s10], $0x800  }
0x110: {  	[sflag:s10] =	ssyncset.done $0x0  }
0x111: {  	s14 =	simm.s32 $0xFFFFFFFC;
	s15 =	simm.s32 $0x20;
	[sflag:s10] =	ssyncadd.s32 $0xFFFFF800  }
.LBB2_34:
0x112: {  	v2 =	vld [tilespmem:s15+$0xFFFFFFE0];
	_ =	sdelay $0x4  }
0x113: {  	vm0 =	vgt.s32 v2, $0x0  }
0x114: {  	v2 =	vnsel vm0, $0x0, v2  }
0x115: {  	v2 =	vmin.u32 v2, $0x7FFF  }
0x116: {  	v3 =	vshll.u32 v2, $0xB;
	v4 =	vshrl.u32 v2, $0x1  }
0x117: {  	v5 =	vshll.u32 v2, $0x7;
	v3 =	vand.u32 $0x4000, v3;
	v4 =	vand.u32 $0x3C00, v4  }
0x118: {  	v2 =	vshrl.u32 v2, $0x4;
	v54 =	vand.u32 $0x380, v5;
	v3 =	vor.u32 v4, v3  }
0x119: {  	v2 =	vand.u32 $0x7F, v2;
	v3 =	vor.u32 v54, v3  }
0x11a: {  	v2 =	vor.u32 v2, v3;
	_ =	sdelay $0x4  }
0x11b: {  	[tilespmem:v2+s11+$0x0] =	vst.idx.add.f32.msk $0xffff, v1  }
0x11c: {  	v2 =	vld [tilespmem:s15+$0xFFFFFFF0];
	_ =	sdelay $0x4  }
0x11d: {  	vm13 =	vgt.s32 v2, $0x0  }
0x11e: {  	v2 =	vnsel vm13, $0x0, v2  }
0x11f: {  	v2 =	vmin.u32 v2, $0x7FFF  }
0x120: {  	v3 =	vshll.u32 v2, $0xB;
	v55 =	vshrl.u32 v2, $0x1  }
0x121: {  	v56 =	vshll.u32 v2, $0x7;
	v3 =	vand.u32 $0x4000, v3;
	v4 =	vand.u32 $0x3C00, v55  }
0x122: {  	v2 =	vshrl.u32 v2, $0x4;
	v57 =	vand.u32 $0x380, v56;
	v3 =	vor.u32 v4, v3  }
0x123: {  	v2 =	vand.u32 $0x7F, v2;
	v3 =	vor.u32 v57, v3  }
0x124: {  	v2 =	vor.u32 v2, v3;
	_ =	sdelay $0x4  }
0x125: {  	[tilespmem:v2+s11+$0x0] =	vst.idx.add.f32.msk $0xffff, v1  }
0x126: {  	v2 =	vld [tilespmem:s15+$0x0];
	_ =	sdelay $0x4  }
0x127: {  	vm14 =	vgt.s32 v2, $0x0  }
0x128: {  	v2 =	vnsel vm14, $0x0, v2  }
0x129: {  	v2 =	vmin.u32 v2, $0x7FFF  }
0x12a: {  	v3 =	vshll.u32 v2, $0xB;
	v58 =	vshrl.u32 v2, $0x1  }
0x12b: {  	v59 =	vshll.u32 v2, $0x7;
	v3 =	vand.u32 $0x4000, v3;
	v4 =	vand.u32 $0x3C00, v58  }
0x12c: {  	v2 =	vshrl.u32 v2, $0x4;
	v60 =	vand.u32 $0x380, v59;
	v3 =	vor.u32 v4, v3  }
0x12d: {  	v2 =	vand.u32 $0x7F, v2;
	v3 =	vor.u32 v60, v3  }
0x12e: {  	v2 =	vor.u32 v2, v3;
	_ =	sdelay $0x4  }
0x12f: {  	[tilespmem:v2+s11+$0x0] =	vst.idx.add.f32.msk $0xffff, v1  }
0x130: {  	v2 =	vld [tilespmem:s15+$0x10];
	_ =	sdelay $0x4  }
0x131: {  	vm15 =	vgt.s32 v2, $0x0  }
0x132: {  	v2 =	vnsel vm15, $0x0, v2  }
0x133: {  	v2 =	vmin.u32 v2, $0x7FFF  }
0x134: {  	v3 =	vshll.u32 v2, $0xB;
	v61 =	vshrl.u32 v2, $0x1  }
0x135: {  	v62 =	vshll.u32 v2, $0x7;
	v3 =	vand.u32 $0x4000, v3;
	v4 =	vand.u32 $0x3C00, v61  }
0x136: {  	v2 =	vshrl.u32 v2, $0x4;
	v63 =	vand.u32 $0x380, v62;
	v3 =	vor.u32 v4, v3  }
0x137: {  	s14 =	sadd.s32 $0x4, s14;
	v2 =	vand.u32 $0x7F, v2;
	v3 =	vor.u32 v63, v3  }
0x138: {  	p0 =	slt.u32 s14, $0x7C;
	v2 =	vor.u32 v2, v3  }
.Ltmp16:
0x139: {  	_ = 	snop;
	(pc) =	sbr.rel @p0 .LBB2_34-.Ltmp16, $2  }
0x13a: {  	_ =	sdelay $0x2  }
0x13b: {  	s15 =	sadd.s32 $0x40, s15;
	[tilespmem:v2+s11+$0x0] =	vst.idx.add.f32.msk $0xffff, v1  }
0x13c: {  	s14 =	simm.s32 $0x0;
	p0 =	por $0x1, $0x1  }
.LBB2_36:
0x13d: {  	s15 =	sshll.u32 s14, $0xE  }
0x13e: {  	s17 =	sshll.u32 s14, $0x11;
	s15 =	sand.u32 $0x3FFFC000, s15  }
0x13f: {  	s14 =	sadd.s32 s17, s4;
	s16 =	sor.u32 $0x800, s15  }
0x140: {  	[hbm4b:s14+s8] =	stream.strided.scatter [tilespmem:s16], [sflag:$0x1], $0x400, s12, s8, $0x38;
	[tilespmem:$0x8800] =	vst v63  }
0x141: {  	s18 =	sor.u32 $0xC00, s15;
	s17 =	sadd.s32 $0x80, s14  }
0x142: {  	[hbm4b:s17+s8] =	stream.strided.scatter [tilespmem:s18], [sflag:$0x1], $0x400, s12, s8, $0x38;
	[tilespmem:$0x8800] =	vst v63  }
0x143: {  	s19 =	sor.u32 $0x1000, s15;
	s20 =	sadd.s32 $0x100, s14  }
0x144: {  	[hbm4b:s20+s8] =	stream.strided.scatter [tilespmem:s19], [sflag:$0x1], $0x400, s12, s8, $0x38;
	[tilespmem:$0x8800] =	vst v63  }
0x145: {  	s21 =	sor.u32 $0x1400, s15;
	s22 =	sadd.s32 $0x180, s14  }
0x146: {  	[hbm4b:s22+s8] =	stream.strided.scatter [tilespmem:s21], [sflag:$0x1], $0x400, s12, s8, $0x38;
	[tilespmem:$0x8800] =	vst v63  }
0x147: {  	s23 =	sor.u32 $0x1800, s15;
	s24 =	sadd.s32 $0x200, s14  }
0x148: {  	[hbm4b:s24+s8] =	stream.strided.scatter [tilespmem:s23], [sflag:$0x1], $0x400, s12, s8, $0x38;
	[tilespmem:$0x8800] =	vst v63  }
0x149: {  	s25 =	sor.u32 $0x1C00, s15;
	s26 =	sadd.s32 $0x280, s14  }
0x14a: {  	[hbm4b:s26+s8] =	stream.strided.scatter [tilespmem:s25], [sflag:$0x1], $0x400, s12, s8, $0x38;
	[tilespmem:$0x8800] =	vst v63  }
0x14b: {  	s28 =	sor.u32 $0x2000, s15;
	s29 =	sadd.s32 $0x300, s14  }
0x14c: {  	[hbm4b:s29+s8] =	stream.strided.scatter [tilespmem:s28], [sflag:$0x1], $0x400, s12, s8, $0x38;
	[tilespmem:$0x8800] =	vst v63  }
0x14d: {  	s30 =	sor.u32 $0x2400, s15;
	s31 =	sadd.s32 $0x380, s14  }
0x14e: {  	[hbm4b:s31+s8] =	stream.strided.scatter [tilespmem:s30], [sflag:$0x1], $0x400, s12, s8, $0x38;
	[tilespmem:$0x8800] =	vst v63  }
0x14f: {  	s17 =	sor.u32 $0x2800, s15;
	s18 =	sadd.s32 $0x400, s14  }
0x150: {  	[hbm4b:s18+s8] =	stream.strided.scatter [tilespmem:s17], [sflag:$0x1], $0x400, s12, s8, $0x38;
	[tilespmem:$0x8800] =	vst v63  }
0x151: {  	s19 =	sor.u32 $0x2C00, s15;
	s20 =	sadd.s32 $0x480, s14  }
0x152: {  	[hbm4b:s20+s8] =	stream.strided.scatter [tilespmem:s19], [sflag:$0x1], $0x400, s12, s8, $0x38;
	[tilespmem:$0x8800] =	vst v63  }
0x153: {  	s21 =	sor.u32 $0x3000, s15;
	s22 =	sadd.s32 $0x500, s14  }
0x154: {  	[hbm4b:s22+s8] =	stream.strided.scatter [tilespmem:s21], [sflag:$0x1], $0x400, s12, s8, $0x38;
	[tilespmem:$0x8800] =	vst v63  }
0x155: {  	s23 =	sor.u32 $0x3400, s15;
	s24 =	sadd.s32 $0x580, s14  }
0x156: {  	[hbm4b:s24+s8] =	stream.strided.scatter [tilespmem:s23], [sflag:$0x1], $0x400, s12, s8, $0x38;
	[tilespmem:$0x8800] =	vst v63  }
0x157: {  	s25 =	sor.u32 $0x3800, s15;
	s26 =	sadd.s32 $0x600, s14  }
0x158: {  	[hbm4b:s26+s8] =	stream.strided.scatter [tilespmem:s25], [sflag:$0x1], $0x400, s12, s8, $0x38;
	[tilespmem:$0x8800] =	vst v63  }
0x159: {  	p1 =	por p0, p0;
	s28 =	sor.u32 $0x3C00, s15;
	s29 =	sadd.s32 $0x680, s14  }
0x15a: {  	[hbm4b:s29+s8] =	stream.strided.scatter [tilespmem:s28], [sflag:$0x1], $0x400, s12, s8, $0x38;
	[tilespmem:$0x8800] =	vst v63  }
.Ltmp17:
0x15b: {  	s30 =	sadd.s32 $0x4000, s15;
	s31 =	sadd.s32 $0x700, s14;
	(pc) =	sbr.rel @p1 .LBB2_36-.Ltmp17, $4  }
0x15c: {  	[hbm4b:s31+s8] =	stream.strided.scatter [tilespmem:s30], [sflag:$0x1], $0x400, s12, s8, $0x38;
	[tilespmem:$0x8800] =	vst v63  }
0x15d: {  	s15 =	sadd.s32 $0x4400, s15;
	s14 =	sadd.s32 $0x780, s14  }
0x15e: {  	[hbm4b:s14+s8] =	stream.strided.scatter [tilespmem:s15], [sflag:$0x1], $0x400, s12, s8, $0x38;
	[tilespmem:$0x8800] =	vst v63  }
0x15f: {  	p0 =	por $0x0, $0x0;
	s14 =	simm.s32 $0x1  }
0x160: {  	_ =	swait.ge [sflag:s10], $0x8000  }
0x161: {  	[sflag:s10] =	ssyncset.done $0x0  }
0x162: {  	s14 =	simm.s32 $0xFFFFFFFC;
	s15 =	simm.s32 $0x20;
	[sflag:s10] =	ssyncadd.s32 $0xFFFF8000  }
.LBB2_38:
0x163: {  	v2 =	vld [tilespmem:s15+$0xFFFFFFE0];
	_ =	sdelay $0x4  }
0x164: {  	vm0 =	vgt.s32 v2, $0x0  }
0x165: {  	v2 =	vnsel vm0, $0x0, v2  }
0x166: {  	v2 =	vmin.u32 v2, $0x7FFF  }
0x167: {  	v3 =	vshll.u32 v2, $0xB;
	v4 =	vshrl.u32 v2, $0x1  }
0x168: {  	v5 =	vshll.u32 v2, $0x7;
	v3 =	vand.u32 $0x4000, v3;
	v4 =	vand.u32 $0x3C00, v4  }
0x169: {  	v2 =	vshrl.u32 v2, $0x4;
	v54 =	vand.u32 $0x380, v5;
	v3 =	vor.u32 v4, v3  }
0x16a: {  	v2 =	vand.u32 $0x7F, v2;
	v3 =	vor.u32 v54, v3  }
0x16b: {  	v2 =	vor.u32 v2, v3;
	_ =	sdelay $0x4  }
0x16c: {  	[tilespmem:v2+s11+$0x0] =	vst.idx.msk $0xffff, v0  }
0x16d: {  	v2 =	vld [tilespmem:s15+$0xFFFFFFF0];
	_ =	sdelay $0x4  }
0x16e: {  	vm13 =	vgt.s32 v2, $0x0  }
0x16f: {  	v2 =	vnsel vm13, $0x0, v2  }
0x170: {  	v2 =	vmin.u32 v2, $0x7FFF  }
0x171: {  	v3 =	vshll.u32 v2, $0xB;
	v55 =	vshrl.u32 v2, $0x1  }
0x172: {  	v56 =	vshll.u32 v2, $0x7;
	v3 =	vand.u32 $0x4000, v3;
	v4 =	vand.u32 $0x3C00, v55  }
0x173: {  	v2 =	vshrl.u32 v2, $0x4;
	v57 =	vand.u32 $0x380, v56;
	v3 =	vor.u32 v4, v3  }
0x174: {  	v2 =	vand.u32 $0x7F, v2;
	v3 =	vor.u32 v57, v3  }
0x175: {  	v2 =	vor.u32 v2, v3;
	_ =	sdelay $0x4  }
0x176: {  	[tilespmem:v2+s11+$0x0] =	vst.idx.msk $0xffff, v0  }
0x177: {  	v2 =	vld [tilespmem:s15+$0x0];
	_ =	sdelay $0x4  }
0x178: {  	vm14 =	vgt.s32 v2, $0x0  }
0x179: {  	v2 =	vnsel vm14, $0x0, v2  }
0x17a: {  	v2 =	vmin.u32 v2, $0x7FFF  }
0x17b: {  	v3 =	vshll.u32 v2, $0xB;
	v58 =	vshrl.u32 v2, $0x1  }
0x17c: {  	v59 =	vshll.u32 v2, $0x7;
	v3 =	vand.u32 $0x4000, v3;
	v4 =	vand.u32 $0x3C00, v58  }
0x17d: {  	v2 =	vshrl.u32 v2, $0x4;
	v60 =	vand.u32 $0x380, v59;
	v3 =	vor.u32 v4, v3  }
0x17e: {  	v2 =	vand.u32 $0x7F, v2;
	v3 =	vor.u32 v60, v3  }
0x17f: {  	v2 =	vor.u32 v2, v3;
	_ =	sdelay $0x4  }
0x180: {  	[tilespmem:v2+s11+$0x0] =	vst.idx.msk $0xffff, v0  }
0x181: {  	v2 =	vld [tilespmem:s15+$0x10];
	_ =	sdelay $0x4  }
0x182: {  	vm15 =	vgt.s32 v2, $0x0  }
0x183: {  	v2 =	vnsel vm15, $0x0, v2  }
0x184: {  	v2 =	vmin.u32 v2, $0x7FFF  }
0x185: {  	v3 =	vshll.u32 v2, $0xB;
	v61 =	vshrl.u32 v2, $0x1  }
0x186: {  	v62 =	vshll.u32 v2, $0x7;
	v3 =	vand.u32 $0x4000, v3;
	v4 =	vand.u32 $0x3C00, v61  }
0x187: {  	v2 =	vshrl.u32 v2, $0x4;
	v63 =	vand.u32 $0x380, v62;
	v3 =	vor.u32 v4, v3  }
0x188: {  	s14 =	sadd.s32 $0x4, s14;
	v2 =	vand.u32 $0x7F, v2;
	v3 =	vor.u32 v63, v3  }
0x189: {  	p0 =	slt.u32 s14, $0x7C;
	v2 =	vor.u32 v2, v3  }
.Ltmp18:
0x18a: {  	_ = 	snop;
	(pc) =	sbr.rel @p0 .LBB2_38-.Ltmp18, $2  }
0x18b: {  	_ =	sdelay $0x2  }
0x18c: {  	s15 =	sadd.s32 $0x40, s15;
	[tilespmem:v2+s11+$0x0] =	vst.idx.msk $0xffff, v0  }
0x18d: {  	[tilespmem:s2], [sflag:$0x1] =	stream.strided.gather [hbm4b:s5+s8], $0x800, s9, s8, $0x38;
	[tilespmem:$0x8800] =	vst v63  }
0x18e: {  	_ =	swait.ge [sflag:s10], $0x800  }
0x18f: {  	[sflag:s10] =	ssyncset.done $0x0  }
0x190: {  	s14 =	simm.s32 $0xFFFFFFFC;
	s15 =	simm.s32 $0x20;
	[sflag:s10] =	ssyncadd.s32 $0xFFFFF800  }
.LBB2_40:
0x191: {  	v2 =	vld [tilespmem:s15+$0xFFFFFFE0];
	_ =	sdelay $0x4  }
0x192: {  	vm0 =	vgt.s32 v2, $0x0  }
0x193: {  	v2 =	vnsel vm0, $0x0, v2  }
0x194: {  	v2 =	vmin.u32 v2, $0x7FFF  }
0x195: {  	v3 =	vshll.u32 v2, $0xB;
	v4 =	vshrl.u32 v2, $0x1  }
0x196: {  	v5 =	vshll.u32 v2, $0x7;
	v3 =	vand.u32 $0x4000, v3;
	v4 =	vand.u32 $0x3C00, v4  }
0x197: {  	v2 =	vshrl.u32 v2, $0x4;
	v54 =	vand.u32 $0x380, v5;
	v3 =	vor.u32 v4, v3  }
0x198: {  	v2 =	vand.u32 $0x7F, v2;
	v3 =	vor.u32 v54, v3  }
0x199: {  	v2 =	vor.u32 v2, v3;
	_ =	sdelay $0x4  }
0x19a: {  	[tilespmem:v2+s11+$0x0] =	vst.idx.add.f32.msk $0xffff, v1  }
0x19b: {  	v2 =	vld [tilespmem:s15+$0xFFFFFFF0];
	_ =	sdelay $0x4  }
0x19c: {  	vm13 =	vgt.s32 v2, $0x0  }
0x19d: {  	v2 =	vnsel vm13, $0x0, v2  }
0x19e: {  	v2 =	vmin.u32 v2, $0x7FFF  }
0x19f: {  	v3 =	vshll.u32 v2, $0xB;
	v55 =	vshrl.u32 v2, $0x1  }
0x1a0: {  	v56 =	vshll.u32 v2, $0x7;
	v3 =	vand.u32 $0x4000, v3;
	v4 =	vand.u32 $0x3C00, v55  }
0x1a1: {  	v2 =	vshrl.u32 v2, $0x4;
	v57 =	vand.u32 $0x380, v56;
	v3 =	vor.u32 v4, v3  }
0x1a2: {  	v2 =	vand.u32 $0x7F, v2;
	v3 =	vor.u32 v57, v3  }
0x1a3: {  	v2 =	vor.u32 v2, v3;
	_ =	sdelay $0x4  }
0x1a4: {  	[tilespmem:v2+s11+$0x0] =	vst.idx.add.f32.msk $0xffff, v1  }
0x1a5: {  	v2 =	vld [tilespmem:s15+$0x0];
	_ =	sdelay $0x4  }
0x1a6: {  	vm14 =	vgt.s32 v2, $0x0  }
0x1a7: {  	v2 =	vnsel vm14, $0x0, v2  }
0x1a8: {  	v2 =	vmin.u32 v2, $0x7FFF  }
0x1a9: {  	v3 =	vshll.u32 v2, $0xB;
	v58 =	vshrl.u32 v2, $0x1  }
0x1aa: {  	v59 =	vshll.u32 v2, $0x7;
	v3 =	vand.u32 $0x4000, v3;
	v4 =	vand.u32 $0x3C00, v58  }
0x1ab: {  	v2 =	vshrl.u32 v2, $0x4;
	v60 =	vand.u32 $0x380, v59;
	v3 =	vor.u32 v4, v3  }
0x1ac: {  	v2 =	vand.u32 $0x7F, v2;
	v3 =	vor.u32 v60, v3  }
0x1ad: {  	v2 =	vor.u32 v2, v3;
	_ =	sdelay $0x4  }
0x1ae: {  	[tilespmem:v2+s11+$0x0] =	vst.idx.add.f32.msk $0xffff, v1  }
0x1af: {  	v2 =	vld [tilespmem:s15+$0x10];
	_ =	sdelay $0x4  }
0x1b0: {  	vm15 =	vgt.s32 v2, $0x0  }
0x1b1: {  	v2 =	vnsel vm15, $0x0, v2  }
0x1b2: {  	v2 =	vmin.u32 v2, $0x7FFF  }
0x1b3: {  	v3 =	vshll.u32 v2, $0xB;
	v61 =	vshrl.u32 v2, $0x1  }
0x1b4: {  	v62 =	vshll.u32 v2, $0x7;
	v3 =	vand.u32 $0x4000, v3;
	v4 =	vand.u32 $0x3C00, v61  }
0x1b5: {  	v2 =	vshrl.u32 v2, $0x4;
	v63 =	vand.u32 $0x380, v62;
	v3 =	vor.u32 v4, v3  }
0x1b6: {  	s14 =	sadd.s32 $0x4, s14;
	v2 =	vand.u32 $0x7F, v2;
	v3 =	vor.u32 v63, v3  }
0x1b7: {  	p0 =	slt.u32 s14, $0x7C;
	v2 =	vor.u32 v2, v3  }
.Ltmp19:
0x1b8: {  	_ = 	snop;
	(pc) =	sbr.rel @p0 .LBB2_40-.Ltmp19, $2  }
0x1b9: {  	_ =	sdelay $0x2  }
0x1ba: {  	s15 =	sadd.s32 $0x40, s15;
	[tilespmem:v2+s11+$0x0] =	vst.idx.add.f32.msk $0xffff, v1  }
0x1bb: {  	s14 =	simm.s32 $0x0;
	p0 =	por $0x1, $0x1  }
.LBB2_42:
0x1bc: {  	s15 =	sshll.u32 s14, $0xE  }
0x1bd: {  	s17 =	sshll.u32 s14, $0x11;
	s15 =	sand.u32 $0x3FFFC000, s15  }
0x1be: {  	s14 =	sadd.s32 s17, s6;
	s16 =	sor.u32 $0x800, s15  }
0x1bf: {  	[hbm4b:s14+s8] =	stream.strided.scatter [tilespmem:s16], [sflag:$0x1], $0x400, s12, s8, $0x38;
	[tilespmem:$0x8800] =	vst v63  }
0x1c0: {  	s18 =	sor.u32 $0xC00, s15;
	s17 =	sadd.s32 $0x80, s14  }
0x1c1: {  	[hbm4b:s17+s8] =	stream.strided.scatter [tilespmem:s18], [sflag:$0x1], $0x400, s12, s8, $0x38;
	[tilespmem:$0x8800] =	vst v63  }
0x1c2: {  	s19 =	sor.u32 $0x1000, s15;
	s20 =	sadd.s32 $0x100, s14  }
0x1c3: {  	[hbm4b:s20+s8] =	stream.strided.scatter [tilespmem:s19], [sflag:$0x1], $0x400, s12, s8, $0x38;
	[tilespmem:$0x8800] =	vst v63  }
0x1c4: {  	s21 =	sor.u32 $0x1400, s15;
	s22 =	sadd.s32 $0x180, s14  }
0x1c5: {  	[hbm4b:s22+s8] =	stream.strided.scatter [tilespmem:s21], [sflag:$0x1], $0x400, s12, s8, $0x38;
	[tilespmem:$0x8800] =	vst v63  }
0x1c6: {  	s23 =	sor.u32 $0x1800, s15;
	s24 =	sadd.s32 $0x200, s14  }
0x1c7: {  	[hbm4b:s24+s8] =	stream.strided.scatter [tilespmem:s23], [sflag:$0x1], $0x400, s12, s8, $0x38;
	[tilespmem:$0x8800] =	vst v63  }
0x1c8: {  	s25 =	sor.u32 $0x1C00, s15;
	s26 =	sadd.s32 $0x280, s14  }
0x1c9: {  	[hbm4b:s26+s8] =	stream.strided.scatter [tilespmem:s25], [sflag:$0x1], $0x400, s12, s8, $0x38;
	[tilespmem:$0x8800] =	vst v63  }
0x1ca: {  	s28 =	sor.u32 $0x2000, s15;
	s29 =	sadd.s32 $0x300, s14  }
0x1cb: {  	[hbm4b:s29+s8] =	stream.strided.scatter [tilespmem:s28], [sflag:$0x1], $0x400, s12, s8, $0x38;
	[tilespmem:$0x8800] =	vst v63  }
0x1cc: {  	s30 =	sor.u32 $0x2400, s15;
	s31 =	sadd.s32 $0x380, s14  }
0x1cd: {  	[hbm4b:s31+s8] =	stream.strided.scatter [tilespmem:s30], [sflag:$0x1], $0x400, s12, s8, $0x38;
	[tilespmem:$0x8800] =	vst v63  }
0x1ce: {  	s17 =	sor.u32 $0x2800, s15;
	s18 =	sadd.s32 $0x400, s14  }
0x1cf: {  	[hbm4b:s18+s8] =	stream.strided.scatter [tilespmem:s17], [sflag:$0x1], $0x400, s12, s8, $0x38;
	[tilespmem:$0x8800] =	vst v63  }
0x1d0: {  	s19 =	sor.u32 $0x2C00, s15;
	s20 =	sadd.s32 $0x480, s14  }
0x1d1: {  	[hbm4b:s20+s8] =	stream.strided.scatter [tilespmem:s19], [sflag:$0x1], $0x400, s12, s8, $0x38;
	[tilespmem:$0x8800] =	vst v63  }
0x1d2: {  	s21 =	sor.u32 $0x3000, s15;
	s22 =	sadd.s32 $0x500, s14  }
0x1d3: {  	[hbm4b:s22+s8] =	stream.strided.scatter [tilespmem:s21], [sflag:$0x1], $0x400, s12, s8, $0x38;
	[tilespmem:$0x8800] =	vst v63  }
0x1d4: {  	s23 =	sor.u32 $0x3400, s15;
	s24 =	sadd.s32 $0x580, s14  }
0x1d5: {  	[hbm4b:s24+s8] =	stream.strided.scatter [tilespmem:s23], [sflag:$0x1], $0x400, s12, s8, $0x38;
	[tilespmem:$0x8800] =	vst v63  }
0x1d6: {  	s25 =	sor.u32 $0x3800, s15;
	s26 =	sadd.s32 $0x600, s14  }
0x1d7: {  	[hbm4b:s26+s8] =	stream.strided.scatter [tilespmem:s25], [sflag:$0x1], $0x400, s12, s8, $0x38;
	[tilespmem:$0x8800] =	vst v63  }
0x1d8: {  	p1 =	por p0, p0;
	s28 =	sor.u32 $0x3C00, s15;
	s29 =	sadd.s32 $0x680, s14  }
0x1d9: {  	[hbm4b:s29+s8] =	stream.strided.scatter [tilespmem:s28], [sflag:$0x1], $0x400, s12, s8, $0x38;
	[tilespmem:$0x8800] =	vst v63  }
.Ltmp20:
0x1da: {  	s30 =	sadd.s32 $0x4000, s15;
	s31 =	sadd.s32 $0x700, s14;
	(pc) =	sbr.rel @p1 .LBB2_42-.Ltmp20, $4  }
0x1db: {  	[hbm4b:s31+s8] =	stream.strided.scatter [tilespmem:s30], [sflag:$0x1], $0x400, s12, s8, $0x38;
	[tilespmem:$0x8800] =	vst v63  }
0x1dc: {  	s15 =	sadd.s32 $0x4400, s15;
	s14 =	sadd.s32 $0x780, s14  }
0x1dd: {  	[hbm4b:s14+s8] =	stream.strided.scatter [tilespmem:s15], [sflag:$0x1], $0x400, s12, s8, $0x38;
	[tilespmem:$0x8800] =	vst v63  }
0x1de: {  	p0 =	por $0x0, $0x0;
	s14 =	simm.s32 $0x1  }
0x1df: {  	s13 =	sadd.s32 $0x1, s13  }
0x1e0: {  	p0 =	sne.s32 s13, s7  }
.Ltmp21:
0x1e1: {  	_ = 	snop;
	(pc) =	sbr.rel @p0 .LBB2_1-.Ltmp21, $4  }
0x1e2: {  	_ = 	snop  }
0x1e3: {  	_ =	swait.ge [sflag:s10], $0x8000  }
0x1e4: {  	[sflag:s10] =	ssyncset.done $0x0  }
0x1e5: {  	[sflag:s10] =	ssyncadd.s32 $0xFFFF8000  }
0x1e6: {  	_ =	sfence.sel $0x180000  }
0x1e7: {  	[bflag:$0x0] =	sbarrier.arrive $0xFFFF  }
0x1e8: {  	p0 =	sne.s32 s1, $0x0;
	_ =	strace $0x90000047  }
0x1e9: {  	s0 =	sadd.s32 @!p0 $0x100000, s0;
	[bflag:$0x2] =	sbarrier.arrive $0xFFFF  }
0x1ea: {  	[sflag:s0] =	ssyncadd.tile.s32 @!p0 $0x1;
	_ =	shalt  }
.Lfunc_end2:
_tile_overlayer_lowered:
.L_overlay_start_2:
0x1eb: {  	(tag) =	ssettag $0x2  }
0x1ec: {  	s0 =	rddreg [dreg:$0x0];
	s2 =	stileid.u32  }
0x1ed: {  	s1 =	rddreg [dreg:$0x1];
	p0 =	sne.s32 s2, $0x0  }
0x1ee: {  	s3 =	rddreg [dreg:$0x2];
	[bflag:$0x3] =	sbarrier.arrive $0xFFFF;
	s2 =	simm.s32 @!p0 $0x1C01  }
0x1ef: {  	[timem:s3], [sflag:s2] =	dma.local @!p0 [hbm:s0], s1  }
0x1f0: {  	s0 =	simm.s32 @!p0 $0x1  }
0x1f1: {  	_ =	swait.ge @!p0 [sflag:s0], s1  }
0x1f2: {  	s1 =	ssub.s32 @!p0 $0x0, s1;
	[sflag:s0] =	ssyncset.done @!p0 $0x0  }
0x1f3: {  	[sflag:s0] =	ssyncadd.s32 @!p0 s1  }
0x1f4: {  	[bflag:$0x3] =	sbarrier.arrive $0xFFFF  }
0x1f5: {  	_ =	shalt  }

</sc_bundles>
